<compile_context>
chip_gen: v7x
topology: tpu7x:2x2x1
jax: 0.10.2.dev20260603
libtpu: 0.0.44.dev20260713+nightly
codegen_flags: <defaults>
</compile_context>

<pallas_src>
import functools

import jax
import jax.numpy as jnp
from jax import lax
from jax.experimental import pallas as pl
from jax.experimental.pallas import tpu as pltpu
from jax.experimental.pallas import tpu_sc as plsc

_NC = 2
_NS = 16
_NW = _NC * _NS
_LANES = 16


def _make_pool_kernel(B, S, D):
    BPW = B // _NW
    C0 = 104
    C1 = S - C0
    BLANES = 2 * _LANES
    ND = D // BLANES

    mesh = plsc.VectorSubcoreMesh(core_axis_name="c", subcore_axis_name="s")

    @functools.partial(
        pl.kernel,
        mesh=mesh,
        out_type=jax.ShapeDtypeStruct((B, D), jnp.bfloat16),
        compiler_params=pltpu.CompilerParams(use_tc_tiling_on_sc=False),
        scratch_types=[
            pltpu.VMEM((BPW, C0), jnp.int32),
            pltpu.VMEM((BPW, C1), jnp.int32),
            pltpu.VMEM((2, C0, D), jnp.bfloat16),
            pltpu.VMEM((2, C1, D), jnp.bfloat16),
            pltpu.VMEM((BPW, D), jnp.bfloat16),
            pltpu.SemaphoreType.DMA,
            pltpu.SemaphoreType.DMA,
        ],
    )
    def pool(idx_hbm, table_hbm, out_hbm, idx0_v, idx1_v, rows0_v, rows1_v,
             pool_v, sem0, sem1):
        cid = lax.axis_index("c")
        sid = lax.axis_index("s")
        wid = sid * _NC + cid
        base = wid * BPW

        pltpu.sync_copy(idx_hbm.at[pl.ds(base, BPW), pl.ds(0, C0)], idx0_v)
        pltpu.sync_copy(idx_hbm.at[pl.ds(base, BPW), pl.ds(C0, C1)], idx1_v)

        sems = (sem0, sem1)

        def copies(b, p):
            return (
                pltpu.make_async_copy(
                    table_hbm.at[idx0_v.at[b]], rows0_v.at[p], sems[p]),
                pltpu.make_async_copy(
                    table_hbm.at[idx1_v.at[b]], rows1_v.at[p], sems[p]),
            )

        def start(b, p):
            for cp in copies(b, p):
                cp.start()

        def reduce_and_store(b, p):
            for cp in copies(b, p):
                cp.wait()
            accs = tuple(
                jnp.full((BLANES,), -jnp.inf, jnp.bfloat16) for _ in range(ND))

            def rbody(rows):
                def f(r, accs):
                    return tuple(
                        jnp.maximum(accs[k], rows[p, r, pl.ds(k * BLANES, BLANES)])
                        for k in range(ND))
                return f

            accs = lax.fori_loop(0, C0, rbody(rows0_v), accs, unroll=8)
            accs = lax.fori_loop(0, C1, rbody(rows1_v), accs, unroll=8)
            for k in range(ND):
                pool_v[b, pl.ds(k * BLANES, BLANES)] = accs[k]

        NB2 = BPW // 2
        start(0, 0)

        def body(i, _):
            b0 = 2 * i
            start(b0 + 1, 1)
            reduce_and_store(b0, 0)

            @pl.when(i + 1 < NB2)
            def _():
                start(b0 + 2, 0)

            reduce_and_store(b0 + 1, 1)
            return 0

        lax.fori_loop(0, NB2, body, 0)

        pltpu.sync_copy(pool_v, out_hbm.at[pl.ds(base, BPW)])

    return pool


def _dense_softmax(pooled, w_pad, b_pad, n_out):
    B, D = pooled.shape
    BLK = 512

    def body(x_ref, w_ref, b_ref, o_ref):
        x = x_ref[...].astype(jnp.float32)
        logits = jnp.dot(x, w_ref[...], preferred_element_type=jnp.float32)
        logits = logits + b_ref[...]
        mask = lax.broadcasted_iota(jnp.int32, logits.shape, 1) < n_out
        masked = jnp.where(mask, logits, -jnp.inf)
        m = jnp.max(masked, axis=1, keepdims=True)
        e = jnp.where(mask, jnp.exp(masked - m), 0.0)
        o_ref[...] = e / jnp.sum(e, axis=1, keepdims=True)

    out = pl.pallas_call(
        body,
        grid=(B // BLK,),
        in_specs=[
            pl.BlockSpec((BLK, D), lambda i: (i, 0)),
            pl.BlockSpec((D, 128), lambda i: (0, 0)),
            pl.BlockSpec((1, 128), lambda i: (0, 0)),
        ],
        out_specs=pl.BlockSpec((BLK, 128), lambda i: (i, 0)),
        out_shape=jax.ShapeDtypeStruct((B, 128), jnp.float32),
    )(pooled, w_pad, b_pad)
    return out[:, :n_out]


def kernel(inputs, table, W_out, b_out):
    B, S = inputs.shape
    V, D = table.shape
    n_out = W_out.shape[1]

    idx = inputs.astype(jnp.int32)
    pooled = _make_pool_kernel(B, S, D)(idx, table.astype(jnp.bfloat16))

    w_pad = jnp.zeros((D, 128), jnp.float32).at[:, :n_out].set(W_out)
    b_pad = jnp.zeros((1, 128), jnp.float32).at[0, :n_out].set(b_out)
    return _dense_softmax(pooled, w_pad, b_pad, n_out)

# --- scband reference (transcript-rebuilt; emitter-appended) ---
"""Pipeline reference for scband-xswem-72258529788454 (READ-ONLY COPY).

The authoritative reference and input builder live on the scoring server;
editing this copy changes nothing except your own understanding.
"""

import jax, jax.numpy as jnp
import numpy as np

VOCAB = 100000
EMBED = 64
N_OUT = 10
BATCH = 4096
SEQ = 200


def setup_inputs(seed: int = 0) -> dict:
    key = jax.random.key(seed)
    k1, k2, k3 = jax.random.split(key, 3)
    inputs = jax.random.randint(k1, (BATCH, SEQ), 0, VOCAB)
    # Embedding table initialized uniform(-0.01, 0.01) as in the original paper
    table = jax.random.uniform(k2, (VOCAB, EMBED), minval=-0.01, maxval=0.01, dtype=jnp.float32)
    W_out = jax.random.normal(k3, (EMBED, N_OUT), dtype=jnp.float32) * 0.05
    b_out = jnp.zeros((N_OUT,), dtype=jnp.float32)
    return {"inputs": inputs, "table": table, "W_out": W_out, "b_out": b_out}


def reference(inputs, table, W_out, b_out):
    # Embedding lookup (gather)
    x = jnp.take(table, inputs, axis=0)          # [B, S, D]
    # GlobalMaxPool1D over the sequence dimension
    x = jnp.max(x, axis=1)                        # [B, D]
    # Output dense layer with softmax activation
    logits = jnp.dot(x, W_out) + b_out            # [B, C]
    return jax.nn.softmax(logits, axis=-1)

if __name__ == "__main__":
    import jax
    _d = setup_inputs()
    print(jax.jit(kernel)(*tuple(_d.values())))

</pallas_src>

<mosaic_0001>
#map = affine_map<(d0, d1) -> (0, 0)>
module attributes {stable_mosaic.version = 14 : i64} {
  func.func @pool(%arg0: i32, %arg1: i32, %arg2: memref<4096x200xi32, #tpu.memory_space<hbm>>, %arg3: memref<100000x64xbf16, #tpu.memory_space<hbm>>, %arg4: memref<4096x64xbf16, #tpu.memory_space<hbm>>, %arg5: memref<128x104xi32, #tpu.memory_space<vmem>>, %arg6: memref<128x96xi32, #tpu.memory_space<vmem>>, %arg7: memref<2x104x64xbf16, #tpu.memory_space<vmem>>, %arg8: memref<2x96x64xbf16, #tpu.memory_space<vmem>>, %arg9: memref<128x64xbf16, #tpu.memory_space<vmem>>, %arg10: memref<!tpu.dma_semaphore, #tpu.memory_space<semaphore_mem>>, %arg11: memref<!tpu.dma_semaphore, #tpu.memory_space<semaphore_mem>>) attributes {dimension_semantics = [#tpu.dimension_semantics<core_parallel>, #tpu.dimension_semantics<subcore_parallel>], iteration_bounds = array<i64: 2, 16>, scalar_prefetch = 0 : i64, scratch_operands = 7 : i64, tpu.core_type = #tpu.core_type<sc_vector_subcore>, window_params = [{transform_indices = #map}, {transform_indices = #map}, {transform_indices = #map}]} {
    %mul3A = arith.constant 2 : i32
    %mul3A_0 = arith.muli %arg1, %mul3A : i32
    %add3A = arith.addi %mul3A_0, %arg0 : i32
    %mul3A_1 = arith.constant 128 : i32
    %mul3A_2 = arith.muli %add3A, %mul3A_1 : i32
    "tpu.region"() ({
      %run_scoped3A = tpu.sem_alloc : memref<!tpu.dma_semaphore, #tpu.memory_space<semaphore_mem>>
      %dma_start3A_32 = arith.constant 0 : i32
      %dma_start3A_33 = tpu.memref_slice %arg2[%mul3A_2, %dma_start3A_32] : memref<4096x200xi32, #tpu.memory_space<hbm>> -> memref<128x104xi32, #tpu.memory_space<hbm>>
      %dma_start3A_34 = arith.constant 0 : i32
      %dma_start3A_35 = tpu.memref_slice %arg2[%mul3A_2, %dma_start3A_34] : memref<4096x200xi32, #tpu.memory_space<hbm>> -> memref<128x104xi32, #tpu.memory_space<hbm>>
      tpu.enqueue_dma source(%dma_start3A_35 : memref<128x104xi32, #tpu.memory_space<hbm>>) target(%arg5 : memref<128x104xi32, #tpu.memory_space<vmem>>) target_semaphore(%run_scoped3A : memref<!tpu.dma_semaphore, #tpu.memory_space<semaphore_mem>>)
      %dma_wait3A = arith.constant 0 : i32
      %dma_wait3A_36 = tpu.memref_slice %arg2[%mul3A_2, %dma_wait3A] : memref<4096x200xi32, #tpu.memory_space<hbm>> -> memref<128x104xi32, #tpu.memory_space<hbm>>
      %dma_wait3A_37 = arith.constant 0 : i32
      %dma_wait3A_38 = tpu.memref_slice %arg2[%mul3A_2, %dma_wait3A_37] : memref<4096x200xi32, #tpu.memory_space<hbm>> -> memref<128x104xi32, #tpu.memory_space<hbm>>
      tpu.wait_dma2 semaphore(%run_scoped3A : memref<!tpu.dma_semaphore, #tpu.memory_space<semaphore_mem>>) src(%dma_wait3A_38 : memref<128x104xi32, #tpu.memory_space<hbm>>) dst(%arg5 : memref<128x104xi32, #tpu.memory_space<vmem>>)
      tpu.yield
    }) : () -> ()
    "tpu.region"() ({
      %run_scoped3A = tpu.sem_alloc : memref<!tpu.dma_semaphore, #tpu.memory_space<semaphore_mem>>
      %dma_start3A_32 = arith.constant 104 : i32
      %dma_start3A_33 = tpu.memref_slice %arg2[%mul3A_2, %dma_start3A_32] : memref<4096x200xi32, #tpu.memory_space<hbm>> -> memref<128x96xi32, #tpu.memory_space<hbm>>
      %dma_start3A_34 = arith.constant 104 : i32
      %dma_start3A_35 = tpu.memref_slice %arg2[%mul3A_2, %dma_start3A_34] : memref<4096x200xi32, #tpu.memory_space<hbm>> -> memref<128x96xi32, #tpu.memory_space<hbm>>
      tpu.enqueue_dma source(%dma_start3A_35 : memref<128x96xi32, #tpu.memory_space<hbm>>) target(%arg6 : memref<128x96xi32, #tpu.memory_space<vmem>>) target_semaphore(%run_scoped3A : memref<!tpu.dma_semaphore, #tpu.memory_space<semaphore_mem>>)
      %dma_wait3A = arith.constant 104 : i32
      %dma_wait3A_36 = tpu.memref_slice %arg2[%mul3A_2, %dma_wait3A] : memref<4096x200xi32, #tpu.memory_space<hbm>> -> memref<128x96xi32, #tpu.memory_space<hbm>>
      %dma_wait3A_37 = arith.constant 104 : i32
      %dma_wait3A_38 = tpu.memref_slice %arg2[%mul3A_2, %dma_wait3A_37] : memref<4096x200xi32, #tpu.memory_space<hbm>> -> memref<128x96xi32, #tpu.memory_space<hbm>>
      tpu.wait_dma2 semaphore(%run_scoped3A : memref<!tpu.dma_semaphore, #tpu.memory_space<semaphore_mem>>) src(%dma_wait3A_38 : memref<128x96xi32, #tpu.memory_space<hbm>>) dst(%arg6 : memref<128x96xi32, #tpu.memory_space<vmem>>)
      tpu.yield
    }) : () -> ()
    %dma_start3A = arith.constant 0 : i32
    %dma_start3A_3 = arith.constant 0 : i32
    %dma_start3A_4 = arith.constant 0 : i32
    %dma_start3A_5 = arith.constant 0 : i32
    %dma_start3A_6 = tpu.memref_slice %arg7[%dma_start3A_3, %dma_start3A_4, %dma_start3A_5] : memref<2x104x64xbf16, #tpu.memory_space<vmem>> -> memref<1x104x64xbf16, #tpu.memory_space<vmem>>
    %dma_start3A_7 = tpu.memref_squeeze %dma_start3A_6 : memref<1x104x64xbf16, #tpu.memory_space<vmem>> -> memref<104x64xbf16, #tpu.memory_space<vmem>>
    %dma_start3A_8 = arith.constant 0 : i32
    %dma_start3A_9 = tpu.memref_slice %arg5[%dma_start3A, %dma_start3A_8] : memref<128x104xi32, #tpu.memory_space<vmem>> -> memref<1x104xi32, #tpu.memory_space<vmem>>
    %dma_start3A_10 = tpu.memref_squeeze %dma_start3A_9 : memref<1x104xi32, #tpu.memory_space<vmem>> -> memref<104xi32, #tpu.memory_space<vmem>>
    %dma_start3A_11 = arith.constant 0 : i32
    %dma_start3A_12 = arith.constant 0 : i32
    %dma_start3A_13 = tpu.memref_slice %arg3[%dma_start3A_11, %dma_start3A_12] : memref<100000x64xbf16, #tpu.memory_space<hbm>> -> memref<100000x64xbf16, #tpu.memory_space<hbm>>
    tpu.enqueue_indirect_dma source(%dma_start3A_13 : memref<100000x64xbf16, #tpu.memory_space<hbm>>) target(%dma_start3A_7 : memref<104x64xbf16, #tpu.memory_space<vmem>>) offsets(%dma_start3A_10 : memref<104xi32, #tpu.memory_space<vmem>>) semaphore(%arg10 : memref<!tpu.dma_semaphore, #tpu.memory_space<semaphore_mem>>)
    %dma_start3A_14 = arith.constant 0 : i32
    %dma_start3A_15 = arith.constant 0 : i32
    %dma_start3A_16 = arith.constant 0 : i32
    %dma_start3A_17 = arith.constant 0 : i32
    %dma_start3A_18 = tpu.memref_slice %arg8[%dma_start3A_15, %dma_start3A_16, %dma_start3A_17] : memref<2x96x64xbf16, #tpu.memory_space<vmem>> -> memref<1x96x64xbf16, #tpu.memory_space<vmem>>
    %dma_start3A_19 = tpu.memref_squeeze %dma_start3A_18 : memref<1x96x64xbf16, #tpu.memory_space<vmem>> -> memref<96x64xbf16, #tpu.memory_space<vmem>>
    %dma_start3A_20 = arith.constant 0 : i32
    %dma_start3A_21 = tpu.memref_slice %arg6[%dma_start3A_14, %dma_start3A_20] : memref<128x96xi32, #tpu.memory_space<vmem>> -> memref<1x96xi32, #tpu.memory_space<vmem>>
    %dma_start3A_22 = tpu.memref_squeeze %dma_start3A_21 : memref<1x96xi32, #tpu.memory_space<vmem>> -> memref<96xi32, #tpu.memory_space<vmem>>
    %dma_start3A_23 = arith.constant 0 : i32
    %dma_start3A_24 = arith.constant 0 : i32
    %dma_start3A_25 = tpu.memref_slice %arg3[%dma_start3A_23, %dma_start3A_24] : memref<100000x64xbf16, #tpu.memory_space<hbm>> -> memref<100000x64xbf16, #tpu.memory_space<hbm>>
    tpu.enqueue_indirect_dma source(%dma_start3A_25 : memref<100000x64xbf16, #tpu.memory_space<hbm>>) target(%dma_start3A_19 : memref<96x64xbf16, #tpu.memory_space<vmem>>) offsets(%dma_start3A_22 : memref<96xi32, #tpu.memory_space<vmem>>) semaphore(%arg10 : memref<!tpu.dma_semaphore, #tpu.memory_space<semaphore_mem>>)
    %scan3A = arith.constant 0 : i32
    %scan3A_26 = arith.constant 0 : i32
    %scan3A_27 = arith.constant 64 : i32
    %scan3A_28 = arith.addi %scan3A_26, %scan3A_27 : i32
    %scan3A_29 = arith.constant 1 : i32
    %scan3A_30 = scf.for %scan3A_32 = %scan3A_26 to %scan3A_28 step %scan3A_29 iter_args(%scan3A_33 = %scan3A) -> (i32)  : i32 {
      %mul3A_34 = arith.constant 2 : i32
      %mul3A_35 = arith.muli %mul3A_34, %scan3A_32 : i32
      %add3A_36 = arith.constant 1 : i32
      %add3A_37 = arith.addi %mul3A_35, %add3A_36 : i32
      %dma_start3A_38 = arith.constant 1 : i32
      %dma_start3A_39 = arith.constant 0 : i32
      %dma_start3A_40 = arith.constant 0 : i32
      %dma_start3A_41 = tpu.memref_slice %arg7[%dma_start3A_38, %dma_start3A_39, %dma_start3A_40] : memref<2x104x64xbf16, #tpu.memory_space<vmem>> -> memref<1x104x64xbf16, #tpu.memory_space<vmem>>
      %dma_start3A_42 = tpu.memref_squeeze %dma_start3A_41 : memref<1x104x64xbf16, #tpu.memory_space<vmem>> -> memref<104x64xbf16, #tpu.memory_space<vmem>>
      %dma_start3A_43 = arith.constant 0 : i32
      %dma_start3A_44 = tpu.memref_slice %arg5[%add3A_37, %dma_start3A_43] : memref<128x104xi32, #tpu.memory_space<vmem>> -> memref<1x104xi32, #tpu.memory_space<vmem>>
      %dma_start3A_45 = tpu.memref_squeeze %dma_start3A_44 : memref<1x104xi32, #tpu.memory_space<vmem>> -> memref<104xi32, #tpu.memory_space<vmem>>
      %dma_start3A_46 = arith.constant 0 : i32
      %dma_start3A_47 = arith.constant 0 : i32
      %dma_start3A_48 = tpu.memref_slice %arg3[%dma_start3A_46, %dma_start3A_47] : memref<100000x64xbf16, #tpu.memory_space<hbm>> -> memref<100000x64xbf16, #tpu.memory_space<hbm>>
      tpu.enqueue_indirect_dma source(%dma_start3A_48 : memref<100000x64xbf16, #tpu.memory_space<hbm>>) target(%dma_start3A_42 : memref<104x64xbf16, #tpu.memory_space<vmem>>) offsets(%dma_start3A_45 : memref<104xi32, #tpu.memory_space<vmem>>) semaphore(%arg11 : memref<!tpu.dma_semaphore, #tpu.memory_space<semaphore_mem>>)
      %dma_start3A_49 = arith.constant 1 : i32
      %dma_start3A_50 = arith.constant 0 : i32
      %dma_start3A_51 = arith.constant 0 : i32
      %dma_start3A_52 = tpu.memref_slice %arg8[%dma_start3A_49, %dma_start3A_50, %dma_start3A_51] : memref<2x96x64xbf16, #tpu.memory_space<vmem>> -> memref<1x96x64xbf16, #tpu.memory_space<vmem>>
      %dma_start3A_53 = tpu.memref_squeeze %dma_start3A_52 : memref<1x96x64xbf16, #tpu.memory_space<vmem>> -> memref<96x64xbf16, #tpu.memory_space<vmem>>
      %dma_start3A_54 = arith.constant 0 : i32
      %dma_start3A_55 = tpu.memref_slice %arg6[%add3A_37, %dma_start3A_54] : memref<128x96xi32, #tpu.memory_space<vmem>> -> memref<1x96xi32, #tpu.memory_space<vmem>>
      %dma_start3A_56 = tpu.memref_squeeze %dma_start3A_55 : memref<1x96xi32, #tpu.memory_space<vmem>> -> memref<96xi32, #tpu.memory_space<vmem>>
      %dma_start3A_57 = arith.constant 0 : i32
      %dma_start3A_58 = arith.constant 0 : i32
      %dma_start3A_59 = tpu.memref_slice %arg3[%dma_start3A_57, %dma_start3A_58] : memref<100000x64xbf16, #tpu.memory_space<hbm>> -> memref<100000x64xbf16, #tpu.memory_space<hbm>>
      tpu.enqueue_indirect_dma source(%dma_start3A_59 : memref<100000x64xbf16, #tpu.memory_space<hbm>>) target(%dma_start3A_53 : memref<96x64xbf16, #tpu.memory_space<vmem>>) offsets(%dma_start3A_56 : memref<96xi32, #tpu.memory_space<vmem>>) semaphore(%arg11 : memref<!tpu.dma_semaphore, #tpu.memory_space<semaphore_mem>>)
      %dma_wait3A = arith.constant 0 : i32
      %dma_wait3A_60 = arith.constant 0 : i32
      %dma_wait3A_61 = arith.constant 0 : i32
      %dma_wait3A_62 = tpu.memref_slice %arg7[%dma_wait3A, %dma_wait3A_60, %dma_wait3A_61] : memref<2x104x64xbf16, #tpu.memory_space<vmem>> -> memref<1x104x64xbf16, #tpu.memory_space<vmem>>
      %dma_wait3A_63 = tpu.memref_squeeze %dma_wait3A_62 : memref<1x104x64xbf16, #tpu.memory_space<vmem>> -> memref<104x64xbf16, #tpu.memory_space<vmem>>
      %dma_wait3A_64 = arith.constant 0 : i32
      %dma_wait3A_65 = tpu.memref_slice %arg5[%mul3A_35, %dma_wait3A_64] : memref<128x104xi32, #tpu.memory_space<vmem>> -> memref<1x104xi32, #tpu.memory_space<vmem>>
      %dma_wait3A_66 = tpu.memref_squeeze %dma_wait3A_65 : memref<1x104xi32, #tpu.memory_space<vmem>> -> memref<104xi32, #tpu.memory_space<vmem>>
      %dma_wait3A_67 = arith.constant 0 : i32
      %dma_wait3A_68 = arith.constant 0 : i32
      %dma_wait3A_69 = tpu.memref_slice %arg3[%dma_wait3A_67, %dma_wait3A_68] : memref<100000x64xbf16, #tpu.memory_space<hbm>> -> memref<100000x64xbf16, #tpu.memory_space<hbm>>
      tpu.wait_indirect_dma semaphore(%arg10 : memref<!tpu.dma_semaphore, #tpu.memory_space<semaphore_mem>>) src(%dma_wait3A_69 : memref<100000x64xbf16, #tpu.memory_space<hbm>>) dst(%dma_wait3A_63 : memref<104x64xbf16, #tpu.memory_space<vmem>>)
      %dma_wait3A_70 = arith.constant 0 : i32
      %dma_wait3A_71 = arith.constant 0 : i32
      %dma_wait3A_72 = arith.constant 0 : i32
      %dma_wait3A_73 = tpu.memref_slice %arg8[%dma_wait3A_70, %dma_wait3A_71, %dma_wait3A_72] : memref<2x96x64xbf16, #tpu.memory_space<vmem>> -> memref<1x96x64xbf16, #tpu.memory_space<vmem>>
      %dma_wait3A_74 = tpu.memref_squeeze %dma_wait3A_73 : memref<1x96x64xbf16, #tpu.memory_space<vmem>> -> memref<96x64xbf16, #tpu.memory_space<vmem>>
      %dma_wait3A_75 = arith.constant 0 : i32
      %dma_wait3A_76 = tpu.memref_slice %arg6[%mul3A_35, %dma_wait3A_75] : memref<128x96xi32, #tpu.memory_space<vmem>> -> memref<1x96xi32, #tpu.memory_space<vmem>>
      %dma_wait3A_77 = tpu.memref_squeeze %dma_wait3A_76 : memref<1x96xi32, #tpu.memory_space<vmem>> -> memref<96xi32, #tpu.memory_space<vmem>>
      %dma_wait3A_78 = arith.constant 0 : i32
      %dma_wait3A_79 = arith.constant 0 : i32
      %dma_wait3A_80 = tpu.memref_slice %arg3[%dma_wait3A_78, %dma_wait3A_79] : memref<100000x64xbf16, #tpu.memory_space<hbm>> -> memref<100000x64xbf16, #tpu.memory_space<hbm>>
      tpu.wait_indirect_dma semaphore(%arg10 : memref<!tpu.dma_semaphore, #tpu.memory_space<semaphore_mem>>) src(%dma_wait3A_80 : memref<100000x64xbf16, #tpu.memory_space<hbm>>) dst(%dma_wait3A_74 : memref<96x64xbf16, #tpu.memory_space<vmem>>)
      %broadcast_in_dim3A = arith.constant 0xFF80 : bf16
      %broadcast_in_dim3A_81 = vector.broadcast %broadcast_in_dim3A : bf16 to vector<32xbf16>
      %broadcast_in_dim3A_82 = arith.constant 0xFF80 : bf16
      %broadcast_in_dim3A_83 = vector.broadcast %broadcast_in_dim3A_82 : bf16 to vector<32xbf16>
      %scan3A_84 = arith.constant 0 : i32
      %scan3A_85 = arith.constant 104 : i32
      %scan3A_86 = arith.addi %scan3A_84, %scan3A_85 : i32
      %scan3A_87 = arith.constant 8 : i32
      %scan3A_88:2 = scf.for %scan3A_160 = %scan3A_84 to %scan3A_86 step %scan3A_87 iter_args(%scan3A_161 = %broadcast_in_dim3A_81, %scan3A_162 = %broadcast_in_dim3A_83) -> (vector<32xbf16>, vector<32xbf16>)  : i32 {
        %get3A = arith.constant 0 : i32
        %get3A_163 = arith.index_cast %get3A : i32 to index
        %get3A_164 = arith.index_cast %scan3A_160 : i32 to index
        %get3A_165 = arith.constant 0 : index
        %get3A_166 = tpu.vector_load %arg7[%get3A_163, %get3A_164, %get3A_165] {strides = array<i32>} : memref<2x104x64xbf16, #tpu.memory_space<vmem>>, vector<1x1x32xbf16>,
        %get3A_167 = vector.shape_cast %get3A_166 : vector<1x1x32xbf16> to vector<32xbf16>
        %max3A = arith.maximumf %scan3A_161, %get3A_167 : vector<32xbf16>
        %get3A_168 = arith.constant 0 : i32
        %get3A_169 = arith.index_cast %get3A_168 : i32 to index
        %get3A_170 = arith.index_cast %scan3A_160 : i32 to index
        %get3A_171 = arith.constant 32 : index
        %get3A_172 = tpu.vector_load %arg7[%get3A_169, %get3A_170, %get3A_171] {strides = array<i32>} : memref<2x104x64xbf16, #tpu.memory_space<vmem>>, vector<1x1x32xbf16>,
        %get3A_173 = vector.shape_cast %get3A_172 : vector<1x1x32xbf16> to vector<32xbf16>
        %max3A_174 = arith.maximumf %scan3A_162, %get3A_173 : vector<32xbf16>
        %scan3A_175 = arith.constant 1 : i32
        %scan3A_176 = arith.addi %scan3A_160, %scan3A_175 : i32
        %get3A_177 = arith.constant 0 : i32
        %get3A_178 = arith.index_cast %get3A_177 : i32 to index
        %get3A_179 = arith.index_cast %scan3A_176 : i32 to index
        %get3A_180 = arith.constant 0 : index
        %get3A_181 = tpu.vector_load %arg7[%get3A_178, %get3A_179, %get3A_180] {strides = array<i32>} : memref<2x104x64xbf16, #tpu.memory_space<vmem>>, vector<1x1x32xbf16>,
        %get3A_182 = vector.shape_cast %get3A_181 : vector<1x1x32xbf16> to vector<32xbf16>
        %max3A_183 = arith.maximumf %max3A, %get3A_182 : vector<32xbf16>
        %get3A_184 = arith.constant 0 : i32
        %get3A_185 = arith.index_cast %get3A_184 : i32 to index
        %get3A_186 = arith.index_cast %scan3A_176 : i32 to index
        %get3A_187 = arith.constant 32 : index
        %get3A_188 = tpu.vector_load %arg7[%get3A_185, %get3A_186, %get3A_187] {strides = array<i32>} : memref<2x104x64xbf16, #tpu.memory_space<vmem>>, vector<1x1x32xbf16>,
        %get3A_189 = vector.shape_cast %get3A_188 : vector<1x1x32xbf16> to vector<32xbf16>
        %max3A_190 = arith.maximumf %max3A_174, %get3A_189 : vector<32xbf16>
        %scan3A_191 = arith.constant 2 : i32
        %scan3A_192 = arith.addi %scan3A_160, %scan3A_191 : i32
        %get3A_193 = arith.constant 0 : i32
        %get3A_194 = arith.index_cast %get3A_193 : i32 to index
        %get3A_195 = arith.index_cast %scan3A_192 : i32 to index
        %get3A_196 = arith.constant 0 : index
        %get3A_197 = tpu.vector_load %arg7[%get3A_194, %get3A_195, %get3A_196] {strides = array<i32>} : memref<2x104x64xbf16, #tpu.memory_space<vmem>>, vector<1x1x32xbf16>,
        %get3A_198 = vector.shape_cast %get3A_197 : vector<1x1x32xbf16> to vector<32xbf16>
        %max3A_199 = arith.maximumf %max3A_183, %get3A_198 : vector<32xbf16>
        %get3A_200 = arith.constant 0 : i32
        %get3A_201 = arith.index_cast %get3A_200 : i32 to index
        %get3A_202 = arith.index_cast %scan3A_192 : i32 to index
        %get3A_203 = arith.constant 32 : index
        %get3A_204 = tpu.vector_load %arg7[%get3A_201, %get3A_202, %get3A_203] {strides = array<i32>} : memref<2x104x64xbf16, #tpu.memory_space<vmem>>, vector<1x1x32xbf16>,
        %get3A_205 = vector.shape_cast %get3A_204 : vector<1x1x32xbf16> to vector<32xbf16>
        %max3A_206 = arith.maximumf %max3A_190, %get3A_205 : vector<32xbf16>
        %scan3A_207 = arith.constant 3 : i32
        %scan3A_208 = arith.addi %scan3A_160, %scan3A_207 : i32
        %get3A_209 = arith.constant 0 : i32
        %get3A_210 = arith.index_cast %get3A_209 : i32 to index
        %get3A_211 = arith.index_cast %scan3A_208 : i32 to index
        %get3A_212 = arith.constant 0 : index
        %get3A_213 = tpu.vector_load %arg7[%get3A_210, %get3A_211, %get3A_212] {strides = array<i32>} : memref<2x104x64xbf16, #tpu.memory_space<vmem>>, vector<1x1x32xbf16>,
        %get3A_214 = vector.shape_cast %get3A_213 : vector<1x1x32xbf16> to vector<32xbf16>
        %max3A_215 = arith.maximumf %max3A_199, %get3A_214 : vector<32xbf16>
        %get3A_216 = arith.constant 0 : i32
        %get3A_217 = arith.index_cast %get3A_216 : i32 to index
        %get3A_218 = arith.index_cast %scan3A_208 : i32 to index
        %get3A_219 = arith.constant 32 : index
        %get3A_220 = tpu.vector_load %arg7[%get3A_217, %get3A_218, %get3A_219] {strides = array<i32>} : memref<2x104x64xbf16, #tpu.memory_space<vmem>>, vector<1x1x32xbf16>,
        %get3A_221 = vector.shape_cast %get3A_220 : vector<1x1x32xbf16> to vector<32xbf16>
        %max3A_222 = arith.maximumf %max3A_206, %get3A_221 : vector<32xbf16>
        %scan3A_223 = arith.constant 4 : i32
        %scan3A_224 = arith.addi %scan3A_160, %scan3A_223 : i32
        %get3A_225 = arith.constant 0 : i32
        %get3A_226 = arith.index_cast %get3A_225 : i32 to index
        %get3A_227 = arith.index_cast %scan3A_224 : i32 to index
        %get3A_228 = arith.constant 0 : index
        %get3A_229 = tpu.vector_load %arg7[%get3A_226, %get3A_227, %get3A_228] {strides = array<i32>} : memref<2x104x64xbf16, #tpu.memory_space<vmem>>, vector<1x1x32xbf16>,
        %get3A_230 = vector.shape_cast %get3A_229 : vector<1x1x32xbf16> to vector<32xbf16>
        %max3A_231 = arith.maximumf %max3A_215, %get3A_230 : vector<32xbf16>
        %get3A_232 = arith.constant 0 : i32
        %get3A_233 = arith.index_cast %get3A_232 : i32 to index
        %get3A_234 = arith.index_cast %scan3A_224 : i32 to index
        %get3A_235 = arith.constant 32 : index
        %get3A_236 = tpu.vector_load %arg7[%get3A_233, %get3A_234, %get3A_235] {strides = array<i32>} : memref<2x104x64xbf16, #tpu.memory_space<vmem>>, vector<1x1x32xbf16>,
        %get3A_237 = vector.shape_cast %get3A_236 : vector<1x1x32xbf16> to vector<32xbf16>
        %max3A_238 = arith.maximumf %max3A_222, %get3A_237 : vector<32xbf16>
        %scan3A_239 = arith.constant 5 : i32
        %scan3A_240 = arith.addi %scan3A_160, %scan3A_239 : i32
        %get3A_241 = arith.constant 0 : i32
        %get3A_242 = arith.index_cast %get3A_241 : i32 to index
        %get3A_243 = arith.index_cast %scan3A_240 : i32 to index
        %get3A_244 = arith.constant 0 : index
        %get3A_245 = tpu.vector_load %arg7[%get3A_242, %get3A_243, %get3A_244] {strides = array<i32>} : memref<2x104x64xbf16, #tpu.memory_space<vmem>>, vector<1x1x32xbf16>,
        %get3A_246 = vector.shape_cast %get3A_245 : vector<1x1x32xbf16> to vector<32xbf16>
        %max3A_247 = arith.maximumf %max3A_231, %get3A_246 : vector<32xbf16>
        %get3A_248 = arith.constant 0 : i32
        %get3A_249 = arith.index_cast %get3A_248 : i32 to index
        %get3A_250 = arith.index_cast %scan3A_240 : i32 to index
        %get3A_251 = arith.constant 32 : index
        %get3A_252 = tpu.vector_load %arg7[%get3A_249, %get3A_250, %get3A_251] {strides = array<i32>} : memref<2x104x64xbf16, #tpu.memory_space<vmem>>, vector<1x1x32xbf16>,
        %get3A_253 = vector.shape_cast %get3A_252 : vector<1x1x32xbf16> to vector<32xbf16>
        %max3A_254 = arith.maximumf %max3A_238, %get3A_253 : vector<32xbf16>
        %scan3A_255 = arith.constant 6 : i32
        %scan3A_256 = arith.addi %scan3A_160, %scan3A_255 : i32
        %get3A_257 = arith.constant 0 : i32
        %get3A_258 = arith.index_cast %get3A_257 : i32 to index
        %get3A_259 = arith.index_cast %scan3A_256 : i32 to index
        %get3A_260 = arith.constant 0 : index
        %get3A_261 = tpu.vector_load %arg7[%get3A_258, %get3A_259, %get3A_260] {strides = array<i32>} : memref<2x104x64xbf16, #tpu.memory_space<vmem>>, vector<1x1x32xbf16>,
        %get3A_262 = vector.shape_cast %get3A_261 : vector<1x1x32xbf16> to vector<32xbf16>
        %max3A_263 = arith.maximumf %max3A_247, %get3A_262 : vector<32xbf16>
        %get3A_264 = arith.constant 0 : i32
        %get3A_265 = arith.index_cast %get3A_264 : i32 to index
        %get3A_266 = arith.index_cast %scan3A_256 : i32 to index
        %get3A_267 = arith.constant 32 : index
        %get3A_268 = tpu.vector_load %arg7[%get3A_265, %get3A_266, %get3A_267] {strides = array<i32>} : memref<2x104x64xbf16, #tpu.memory_space<vmem>>, vector<1x1x32xbf16>,
        %get3A_269 = vector.shape_cast %get3A_268 : vector<1x1x32xbf16> to vector<32xbf16>
        %max3A_270 = arith.maximumf %max3A_254, %get3A_269 : vector<32xbf16>
        %scan3A_271 = arith.constant 7 : i32
        %scan3A_272 = arith.addi %scan3A_160, %scan3A_271 : i32
        %get3A_273 = arith.constant 0 : i32
        %get3A_274 = arith.index_cast %get3A_273 : i32 to index
        %get3A_275 = arith.index_cast %scan3A_272 : i32 to index
        %get3A_276 = arith.constant 0 : index
        %get3A_277 = tpu.vector_load %arg7[%get3A_274, %get3A_275, %get3A_276] {strides = array<i32>} : memref<2x104x64xbf16, #tpu.memory_space<vmem>>, vector<1x1x32xbf16>,
        %get3A_278 = vector.shape_cast %get3A_277 : vector<1x1x32xbf16> to vector<32xbf16>
        %max3A_279 = arith.maximumf %max3A_263, %get3A_278 : vector<32xbf16>
        %get3A_280 = arith.constant 0 : i32
        %get3A_281 = arith.index_cast %get3A_280 : i32 to index
        %get3A_282 = arith.index_cast %scan3A_272 : i32 to index
        %get3A_283 = arith.constant 32 : index
        %get3A_284 = tpu.vector_load %arg7[%get3A_281, %get3A_282, %get3A_283] {strides = array<i32>} : memref<2x104x64xbf16, #tpu.memory_space<vmem>>, vector<1x1x32xbf16>,
        %get3A_285 = vector.shape_cast %get3A_284 : vector<1x1x32xbf16> to vector<32xbf16>
        %max3A_286 = arith.maximumf %max3A_270, %get3A_285 : vector<32xbf16>
        scf.yield %max3A_279, %max3A_286 : vector<32xbf16>, vector<32xbf16>
      }
      %scan3A_89 = arith.constant 104 : i32
      %scan3A_90 = arith.constant 0 : i32
      %scan3A_91 = arith.constant 96 : i32
      %scan3A_92 = arith.addi %scan3A_90, %scan3A_91 : i32
      %scan3A_93 = arith.constant 8 : i32
      %scan3A_94:2 = scf.for %scan3A_160 = %scan3A_90 to %scan3A_92 step %scan3A_93 iter_args(%scan3A_161 = %scan3A_88#0, %scan3A_162 = %scan3A_88#1) -> (vector<32xbf16>, vector<32xbf16>)  : i32 {
        %get3A = arith.constant 0 : i32
        %get3A_163 = arith.index_cast %get3A : i32 to index
        %get3A_164 = arith.index_cast %scan3A_160 : i32 to index
        %get3A_165 = arith.constant 0 : index
        %get3A_166 = tpu.vector_load %arg8[%get3A_163, %get3A_164, %get3A_165] {strides = array<i32>} : memref<2x96x64xbf16, #tpu.memory_space<vmem>>, vector<1x1x32xbf16>,
        %get3A_167 = vector.shape_cast %get3A_166 : vector<1x1x32xbf16> to vector<32xbf16>
        %max3A = arith.maximumf %scan3A_161, %get3A_167 : vector<32xbf16>
        %get3A_168 = arith.constant 0 : i32
        %get3A_169 = arith.index_cast %get3A_168 : i32 to index
        %get3A_170 = arith.index_cast %scan3A_160 : i32 to index
        %get3A_171 = arith.constant 32 : index
        %get3A_172 = tpu.vector_load %arg8[%get3A_169, %get3A_170, %get3A_171] {strides = array<i32>} : memref<2x96x64xbf16, #tpu.memory_space<vmem>>, vector<1x1x32xbf16>,
        %get3A_173 = vector.shape_cast %get3A_172 : vector<1x1x32xbf16> to vector<32xbf16>
        %max3A_174 = arith.maximumf %scan3A_162, %get3A_173 : vector<32xbf16>
        %scan3A_175 = arith.constant 1 : i32
        %scan3A_176 = arith.addi %scan3A_160, %scan3A_175 : i32
        %get3A_177 = arith.constant 0 : i32
        %get3A_178 = arith.index_cast %get3A_177 : i32 to index
        %get3A_179 = arith.index_cast %scan3A_176 : i32 to index
        %get3A_180 = arith.constant 0 : index
        %get3A_181 = tpu.vector_load %arg8[%get3A_178, %get3A_179, %get3A_180] {strides = array<i32>} : memref<2x96x64xbf16, #tpu.memory_space<vmem>>, vector<1x1x32xbf16>,
        %get3A_182 = vector.shape_cast %get3A_181 : vector<1x1x32xbf16> to vector<32xbf16>
        %max3A_183 = arith.maximumf %max3A, %get3A_182 : vector<32xbf16>
        %get3A_184 = arith.constant 0 : i32
        %get3A_185 = arith.index_cast %get3A_184 : i32 to index
        %get3A_186 = arith.index_cast %scan3A_176 : i32 to index
        %get3A_187 = arith.constant 32 : index
        %get3A_188 = tpu.vector_load %arg8[%get3A_185, %get3A_186, %get3A_187] {strides = array<i32>} : memref<2x96x64xbf16, #tpu.memory_space<vmem>>, vector<1x1x32xbf16>,
        %get3A_189 = vector.shape_cast %get3A_188 : vector<1x1x32xbf16> to vector<32xbf16>
        %max3A_190 = arith.maximumf %max3A_174, %get3A_189 : vector<32xbf16>
        %scan3A_191 = arith.constant 2 : i32
        %scan3A_192 = arith.addi %scan3A_160, %scan3A_191 : i32
        %get3A_193 = arith.constant 0 : i32
        %get3A_194 = arith.index_cast %get3A_193 : i32 to index
        %get3A_195 = arith.index_cast %scan3A_192 : i32 to index
        %get3A_196 = arith.constant 0 : index
        %get3A_197 = tpu.vector_load %arg8[%get3A_194, %get3A_195, %get3A_196] {strides = array<i32>} : memref<2x96x64xbf16, #tpu.memory_space<vmem>>, vector<1x1x32xbf16>,
        %get3A_198 = vector.shape_cast %get3A_197 : vector<1x1x32xbf16> to vector<32xbf16>
        %max3A_199 = arith.maximumf %max3A_183, %get3A_198 : vector<32xbf16>
        %get3A_200 = arith.constant 0 : i32
        %get3A_201 = arith.index_cast %get3A_200 : i32 to index
        %get3A_202 = arith.index_cast %scan3A_192 : i32 to index
        %get3A_203 = arith.constant 32 : index
        %get3A_204 = tpu.vector_load %arg8[%get3A_201, %get3A_202, %get3A_203] {strides = array<i32>} : memref<2x96x64xbf16, #tpu.memory_space<vmem>>, vector<1x1x32xbf16>,
        %get3A_205 = vector.shape_cast %get3A_204 : vector<1x1x32xbf16> to vector<32xbf16>
        %max3A_206 = arith.maximumf %max3A_190, %get3A_205 : vector<32xbf16>
        %scan3A_207 = arith.constant 3 : i32
        %scan3A_208 = arith.addi %scan3A_160, %scan3A_207 : i32
        %get3A_209 = arith.constant 0 : i32
        %get3A_210 = arith.index_cast %get3A_209 : i32 to index
        %get3A_211 = arith.index_cast %scan3A_208 : i32 to index
        %get3A_212 = arith.constant 0 : index
        %get3A_213 = tpu.vector_load %arg8[%get3A_210, %get3A_211, %get3A_212] {strides = array<i32>} : memref<2x96x64xbf16, #tpu.memory_space<vmem>>, vector<1x1x32xbf16>,
        %get3A_214 = vector.shape_cast %get3A_213 : vector<1x1x32xbf16> to vector<32xbf16>
        %max3A_215 = arith.maximumf %max3A_199, %get3A_214 : vector<32xbf16>
        %get3A_216 = arith.constant 0 : i32
        %get3A_217 = arith.index_cast %get3A_216 : i32 to index
        %get3A_218 = arith.index_cast %scan3A_208 : i32 to index
        %get3A_219 = arith.constant 32 : index
        %get3A_220 = tpu.vector_load %arg8[%get3A_217, %get3A_218, %get3A_219] {strides = array<i32>} : memref<2x96x64xbf16, #tpu.memory_space<vmem>>, vector<1x1x32xbf16>,
        %get3A_221 = vector.shape_cast %get3A_220 : vector<1x1x32xbf16> to vector<32xbf16>
        %max3A_222 = arith.maximumf %max3A_206, %get3A_221 : vector<32xbf16>
        %scan3A_223 = arith.constant 4 : i32
        %scan3A_224 = arith.addi %scan3A_160, %scan3A_223 : i32
        %get3A_225 = arith.constant 0 : i32
        %get3A_226 = arith.index_cast %get3A_225 : i32 to index
        %get3A_227 = arith.index_cast %scan3A_224 : i32 to index
        %get3A_228 = arith.constant 0 : index
        %get3A_229 = tpu.vector_load %arg8[%get3A_226, %get3A_227, %get3A_228] {strides = array<i32>} : memref<2x96x64xbf16, #tpu.memory_space<vmem>>, vector<1x1x32xbf16>,
        %get3A_230 = vector.shape_cast %get3A_229 : vector<1x1x32xbf16> to vector<32xbf16>
        %max3A_231 = arith.maximumf %max3A_215, %get3A_230 : vector<32xbf16>
        %get3A_232 = arith.constant 0 : i32
        %get3A_233 = arith.index_cast %get3A_232 : i32 to index
        %get3A_234 = arith.index_cast %scan3A_224 : i32 to index
        %get3A_235 = arith.constant 32 : index
        %get3A_236 = tpu.vector_load %arg8[%get3A_233, %get3A_234, %get3A_235] {strides = array<i32>} : memref<2x96x64xbf16, #tpu.memory_space<vmem>>, vector<1x1x32xbf16>,
        %get3A_237 = vector.shape_cast %get3A_236 : vector<1x1x32xbf16> to vector<32xbf16>
        %max3A_238 = arith.maximumf %max3A_222, %get3A_237 : vector<32xbf16>
        %scan3A_239 = arith.constant 5 : i32
        %scan3A_240 = arith.addi %scan3A_160, %scan3A_239 : i32
        %get3A_241 = arith.constant 0 : i32
        %get3A_242 = arith.index_cast %get3A_241 : i32 to index
        %get3A_243 = arith.index_cast %scan3A_240 : i32 to index
        %get3A_244 = arith.constant 0 : index
        %get3A_245 = tpu.vector_load %arg8[%get3A_242, %get3A_243, %get3A_244] {strides = array<i32>} : memref<2x96x64xbf16, #tpu.memory_space<vmem>>, vector<1x1x32xbf16>,
        %get3A_246 = vector.shape_cast %get3A_245 : vector<1x1x32xbf16> to vector<32xbf16>
        %max3A_247 = arith.maximumf %max3A_231, %get3A_246 : vector<32xbf16>
        %get3A_248 = arith.constant 0 : i32
        %get3A_249 = arith.index_cast %get3A_248 : i32 to index
        %get3A_250 = arith.index_cast %scan3A_240 : i32 to index
        %get3A_251 = arith.constant 32 : index
        %get3A_252 = tpu.vector_load %arg8[%get3A_249, %get3A_250, %get3A_251] {strides = array<i32>} : memref<2x96x64xbf16, #tpu.memory_space<vmem>>, vector<1x1x32xbf16>,
        %get3A_253 = vector.shape_cast %get3A_252 : vector<1x1x32xbf16> to vector<32xbf16>
        %max3A_254 = arith.maximumf %max3A_238, %get3A_253 : vector<32xbf16>
        %scan3A_255 = arith.constant 6 : i32
        %scan3A_256 = arith.addi %scan3A_160, %scan3A_255 : i32
        %get3A_257 = arith.constant 0 : i32
        %get3A_258 = arith.index_cast %get3A_257 : i32 to index
        %get3A_259 = arith.index_cast %scan3A_256 : i32 to index
        %get3A_260 = arith.constant 0 : index
        %get3A_261 = tpu.vector_load %arg8[%get3A_258, %get3A_259, %get3A_260] {strides = array<i32>} : memref<2x96x64xbf16, #tpu.memory_space<vmem>>, vector<1x1x32xbf16>,
        %get3A_262 = vector.shape_cast %get3A_261 : vector<1x1x32xbf16> to vector<32xbf16>
        %max3A_263 = arith.maximumf %max3A_247, %get3A_262 : vector<32xbf16>
        %get3A_264 = arith.constant 0 : i32
        %get3A_265 = arith.index_cast %get3A_264 : i32 to index
        %get3A_266 = arith.index_cast %scan3A_256 : i32 to index
        %get3A_267 = arith.constant 32 : index
        %get3A_268 = tpu.vector_load %arg8[%get3A_265, %get3A_266, %get3A_267] {strides = array<i32>} : memref<2x96x64xbf16, #tpu.memory_space<vmem>>, vector<1x1x32xbf16>,
        %get3A_269 = vector.shape_cast %get3A_268 : vector<1x1x32xbf16> to vector<32xbf16>
        %max3A_270 = arith.maximumf %max3A_254, %get3A_269 : vector<32xbf16>
        %scan3A_271 = arith.constant 7 : i32
        %scan3A_272 = arith.addi %scan3A_160, %scan3A_271 : i32
        %get3A_273 = arith.constant 0 : i32
        %get3A_274 = arith.index_cast %get3A_273 : i32 to index
        %get3A_275 = arith.index_cast %scan3A_272 : i32 to index
        %get3A_276 = arith.constant 0 : index
        %get3A_277 = tpu.vector_load %arg8[%get3A_274, %get3A_275, %get3A_276] {strides = array<i32>} : memref<2x96x64xbf16, #tpu.memory_space<vmem>>, vector<1x1x32xbf16>,
        %get3A_278 = vector.shape_cast %get3A_277 : vector<1x1x32xbf16> to vector<32xbf16>
        %max3A_279 = arith.maximumf %max3A_263, %get3A_278 : vector<32xbf16>
        %get3A_280 = arith.constant 0 : i32
        %get3A_281 = arith.index_cast %get3A_280 : i32 to index
        %get3A_282 = arith.index_cast %scan3A_272 : i32 to index
        %get3A_283 = arith.constant 32 : index
        %get3A_284 = tpu.vector_load %arg8[%get3A_281, %get3A_282, %get3A_283] {strides = array<i32>} : memref<2x96x64xbf16, #tpu.memory_space<vmem>>, vector<1x1x32xbf16>,
        %get3A_285 = vector.shape_cast %get3A_284 : vector<1x1x32xbf16> to vector<32xbf16>
        %max3A_286 = arith.maximumf %max3A_270, %get3A_285 : vector<32xbf16>
        scf.yield %max3A_279, %max3A_286 : vector<32xbf16>, vector<32xbf16>
      }
      %scan3A_95 = arith.constant 96 : i32
      %swap3A = arith.index_cast %mul3A_35 : i32 to index
      %swap3A_96 = arith.constant 0 : index
      %swap3A_97 = tpu.vector_load %arg9[%swap3A, %swap3A_96] {strides = array<i32>} : memref<128x64xbf16, #tpu.memory_space<vmem>>, vector<1x32xbf16>,
      %swap3A_98 = vector.shape_cast %swap3A_97 : vector<1x32xbf16> to vector<32xbf16>
      %swap3A_99 = vector.shape_cast %scan3A_94#0 : vector<32xbf16> to vector<1x32xbf16>
      tpu.vector_store %arg9[%swap3A, %swap3A_96], %swap3A_99 {strides = array<i32>} : memref<128x64xbf16, #tpu.memory_space<vmem>>, vector<1x32xbf16>,
      %swap3A_100 = arith.index_cast %mul3A_35 : i32 to index
      %swap3A_101 = arith.constant 32 : index
      %swap3A_102 = tpu.vector_load %arg9[%swap3A_100, %swap3A_101] {strides = array<i32>} : memref<128x64xbf16, #tpu.memory_space<vmem>>, vector<1x32xbf16>,
      %swap3A_103 = vector.shape_cast %swap3A_102 : vector<1x32xbf16> to vector<32xbf16>
      %swap3A_104 = vector.shape_cast %scan3A_94#1 : vector<32xbf16> to vector<1x32xbf16>
      tpu.vector_store %arg9[%swap3A_100, %swap3A_101], %swap3A_104 {strides = array<i32>} : memref<128x64xbf16, #tpu.memory_space<vmem>>, vector<1x32xbf16>,
      %add3A_105 = arith.constant 1 : i32
      %add3A_106 = arith.addi %scan3A_32, %add3A_105 : i32
      %lt3A = arith.constant 64 : i32
      %lt3A_107 = arith.cmpi slt, %add3A_106, %lt3A : i32
      %convert_element_type3A = arith.extui %lt3A_107 : i1 to i32
      %cond3A = arith.constant 0 : i32
      %cond3A_108 = arith.cmpi ne, %convert_element_type3A, %cond3A : i32
      scf.if %cond3A_108 {
        %add3A_160 = arith.constant 2 : i32
        %add3A_161 = arith.addi %mul3A_35, %add3A_160 : i32
        %dma_start3A_162 = arith.constant 0 : i32
        %dma_start3A_163 = arith.constant 0 : i32
        %dma_start3A_164 = arith.constant 0 : i32
        %dma_start3A_165 = tpu.memref_slice %arg7[%dma_start3A_162, %dma_start3A_163, %dma_start3A_164] : memref<2x104x64xbf16, #tpu.memory_space<vmem>> -> memref<1x104x64xbf16, #tpu.memory_space<vmem>>
        %dma_start3A_166 = tpu.memref_squeeze %dma_start3A_165 : memref<1x104x64xbf16, #tpu.memory_space<vmem>> -> memref<104x64xbf16, #tpu.memory_space<vmem>>
        %dma_start3A_167 = arith.constant 0 : i32
        %dma_start3A_168 = tpu.memref_slice %arg5[%add3A_161, %dma_start3A_167] : memref<128x104xi32, #tpu.memory_space<vmem>> -> memref<1x104xi32, #tpu.memory_space<vmem>>
        %dma_start3A_169 = tpu.memref_squeeze %dma_start3A_168 : memref<1x104xi32, #tpu.memory_space<vmem>> -> memref<104xi32, #tpu.memory_space<vmem>>
        %dma_start3A_170 = arith.constant 0 : i32
        %dma_start3A_171 = arith.constant 0 : i32
        %dma_start3A_172 = tpu.memref_slice %arg3[%dma_start3A_170, %dma_start3A_171] : memref<100000x64xbf16, #tpu.memory_space<hbm>> -> memref<100000x64xbf16, #tpu.memory_space<hbm>>
        tpu.enqueue_indirect_dma source(%dma_start3A_172 : memref<100000x64xbf16, #tpu.memory_space<hbm>>) target(%dma_start3A_166 : memref<104x64xbf16, #tpu.memory_space<vmem>>) offsets(%dma_start3A_169 : memref<104xi32, #tpu.memory_space<vmem>>) semaphore(%arg10 : memref<!tpu.dma_semaphore, #tpu.memory_space<semaphore_mem>>)
        %dma_start3A_173 = arith.constant 0 : i32
        %dma_start3A_174 = arith.constant 0 : i32
        %dma_start3A_175 = arith.constant 0 : i32
        %dma_start3A_176 = tpu.memref_slice %arg8[%dma_start3A_173, %dma_start3A_174, %dma_start3A_175] : memref<2x96x64xbf16, #tpu.memory_space<vmem>> -> memref<1x96x64xbf16, #tpu.memory_space<vmem>>
        %dma_start3A_177 = tpu.memref_squeeze %dma_start3A_176 : memref<1x96x64xbf16, #tpu.memory_space<vmem>> -> memref<96x64xbf16, #tpu.memory_space<vmem>>
        %dma_start3A_178 = arith.constant 0 : i32
        %dma_start3A_179 = tpu.memref_slice %arg6[%add3A_161, %dma_start3A_178] : memref<128x96xi32, #tpu.memory_space<vmem>> -> memref<1x96xi32, #tpu.memory_space<vmem>>
        %dma_start3A_180 = tpu.memref_squeeze %dma_start3A_179 : memref<1x96xi32, #tpu.memory_space<vmem>> -> memref<96xi32, #tpu.memory_space<vmem>>
        %dma_start3A_181 = arith.constant 0 : i32
        %dma_start3A_182 = arith.constant 0 : i32
        %dma_start3A_183 = tpu.memref_slice %arg3[%dma_start3A_181, %dma_start3A_182] : memref<100000x64xbf16, #tpu.memory_space<hbm>> -> memref<100000x64xbf16, #tpu.memory_space<hbm>>
        tpu.enqueue_indirect_dma source(%dma_start3A_183 : memref<100000x64xbf16, #tpu.memory_space<hbm>>) target(%dma_start3A_177 : memref<96x64xbf16, #tpu.memory_space<vmem>>) offsets(%dma_start3A_180 : memref<96xi32, #tpu.memory_space<vmem>>) semaphore(%arg10 : memref<!tpu.dma_semaphore, #tpu.memory_space<semaphore_mem>>)
      } else {
      }
      %add3A_109 = arith.constant 1 : i32
      %add3A_110 = arith.addi %mul3A_35, %add3A_109 : i32
      %dma_wait3A_111 = arith.constant 1 : i32
      %dma_wait3A_112 = arith.constant 0 : i32
      %dma_wait3A_113 = arith.constant 0 : i32
      %dma_wait3A_114 = tpu.memref_slice %arg7[%dma_wait3A_111, %dma_wait3A_112, %dma_wait3A_113] : memref<2x104x64xbf16, #tpu.memory_space<vmem>> -> memref<1x104x64xbf16, #tpu.memory_space<vmem>>
      %dma_wait3A_115 = tpu.memref_squeeze %dma_wait3A_114 : memref<1x104x64xbf16, #tpu.memory_space<vmem>> -> memref<104x64xbf16, #tpu.memory_space<vmem>>
      %dma_wait3A_116 = arith.constant 0 : i32
      %dma_wait3A_117 = tpu.memref_slice %arg5[%add3A_110, %dma_wait3A_116] : memref<128x104xi32, #tpu.memory_space<vmem>> -> memref<1x104xi32, #tpu.memory_space<vmem>>
      %dma_wait3A_118 = tpu.memref_squeeze %dma_wait3A_117 : memref<1x104xi32, #tpu.memory_space<vmem>> -> memref<104xi32, #tpu.memory_space<vmem>>
      %dma_wait3A_119 = arith.constant 0 : i32
      %dma_wait3A_120 = arith.constant 0 : i32
      %dma_wait3A_121 = tpu.memref_slice %arg3[%dma_wait3A_119, %dma_wait3A_120] : memref<100000x64xbf16, #tpu.memory_space<hbm>> -> memref<100000x64xbf16, #tpu.memory_space<hbm>>
      tpu.wait_indirect_dma semaphore(%arg11 : memref<!tpu.dma_semaphore, #tpu.memory_space<semaphore_mem>>) src(%dma_wait3A_121 : memref<100000x64xbf16, #tpu.memory_space<hbm>>) dst(%dma_wait3A_115 : memref<104x64xbf16, #tpu.memory_space<vmem>>)
      %dma_wait3A_122 = arith.constant 1 : i32
      %dma_wait3A_123 = arith.constant 0 : i32
      %dma_wait3A_124 = arith.constant 0 : i32
      %dma_wait3A_125 = tpu.memref_slice %arg8[%dma_wait3A_122, %dma_wait3A_123, %dma_wait3A_124] : memref<2x96x64xbf16, #tpu.memory_space<vmem>> -> memref<1x96x64xbf16, #tpu.memory_space<vmem>>
      %dma_wait3A_126 = tpu.memref_squeeze %dma_wait3A_125 : memref<1x96x64xbf16, #tpu.memory_space<vmem>> -> memref<96x64xbf16, #tpu.memory_space<vmem>>
      %dma_wait3A_127 = arith.constant 0 : i32
      %dma_wait3A_128 = tpu.memref_slice %arg6[%add3A_110, %dma_wait3A_127] : memref<128x96xi32, #tpu.memory_space<vmem>> -> memref<1x96xi32, #tpu.memory_space<vmem>>
      %dma_wait3A_129 = tpu.memref_squeeze %dma_wait3A_128 : memref<1x96xi32, #tpu.memory_space<vmem>> -> memref<96xi32, #tpu.memory_space<vmem>>
      %dma_wait3A_130 = arith.constant 0 : i32
      %dma_wait3A_131 = arith.constant 0 : i32
      %dma_wait3A_132 = tpu.memref_slice %arg3[%dma_wait3A_130, %dma_wait3A_131] : memref<100000x64xbf16, #tpu.memory_space<hbm>> -> memref<100000x64xbf16, #tpu.memory_space<hbm>>
      tpu.wait_indirect_dma semaphore(%arg11 : memref<!tpu.dma_semaphore, #tpu.memory_space<semaphore_mem>>) src(%dma_wait3A_132 : memref<100000x64xbf16, #tpu.memory_space<hbm>>) dst(%dma_wait3A_126 : memref<96x64xbf16, #tpu.memory_space<vmem>>)
      %broadcast_in_dim3A_133 = arith.constant 0xFF80 : bf16
      %broadcast_in_dim3A_134 = vector.broadcast %broadcast_in_dim3A_133 : bf16 to vector<32xbf16>
      %broadcast_in_dim3A_135 = arith.constant 0xFF80 : bf16
      %broadcast_in_dim3A_136 = vector.broadcast %broadcast_in_dim3A_135 : bf16 to vector<32xbf16>
      %scan3A_137 = arith.constant 0 : i32
      %scan3A_138 = arith.constant 104 : i32
      %scan3A_139 = arith.addi %scan3A_137, %scan3A_138 : i32
      %scan3A_140 = arith.constant 8 : i32
      %scan3A_141:2 = scf.for %scan3A_160 = %scan3A_137 to %scan3A_139 step %scan3A_140 iter_args(%scan3A_161 = %broadcast_in_dim3A_134, %scan3A_162 = %broadcast_in_dim3A_136) -> (vector<32xbf16>, vector<32xbf16>)  : i32 {
        %get3A = arith.constant 1 : i32
        %get3A_163 = arith.index_cast %get3A : i32 to index
        %get3A_164 = arith.index_cast %scan3A_160 : i32 to index
        %get3A_165 = arith.constant 0 : index
        %get3A_166 = tpu.vector_load %arg7[%get3A_163, %get3A_164, %get3A_165] {strides = array<i32>} : memref<2x104x64xbf16, #tpu.memory_space<vmem>>, vector<1x1x32xbf16>,
        %get3A_167 = vector.shape_cast %get3A_166 : vector<1x1x32xbf16> to vector<32xbf16>
        %max3A = arith.maximumf %scan3A_161, %get3A_167 : vector<32xbf16>
        %get3A_168 = arith.constant 1 : i32
        %get3A_169 = arith.index_cast %get3A_168 : i32 to index
        %get3A_170 = arith.index_cast %scan3A_160 : i32 to index
        %get3A_171 = arith.constant 32 : index
        %get3A_172 = tpu.vector_load %arg7[%get3A_169, %get3A_170, %get3A_171] {strides = array<i32>} : memref<2x104x64xbf16, #tpu.memory_space<vmem>>, vector<1x1x32xbf16>,
        %get3A_173 = vector.shape_cast %get3A_172 : vector<1x1x32xbf16> to vector<32xbf16>
        %max3A_174 = arith.maximumf %scan3A_162, %get3A_173 : vector<32xbf16>
        %scan3A_175 = arith.constant 1 : i32
        %scan3A_176 = arith.addi %scan3A_160, %scan3A_175 : i32
        %get3A_177 = arith.constant 1 : i32
        %get3A_178 = arith.index_cast %get3A_177 : i32 to index
        %get3A_179 = arith.index_cast %scan3A_176 : i32 to index
        %get3A_180 = arith.constant 0 : index
        %get3A_181 = tpu.vector_load %arg7[%get3A_178, %get3A_179, %get3A_180] {strides = array<i32>} : memref<2x104x64xbf16, #tpu.memory_space<vmem>>, vector<1x1x32xbf16>,
        %get3A_182 = vector.shape_cast %get3A_181 : vector<1x1x32xbf16> to vector<32xbf16>
        %max3A_183 = arith.maximumf %max3A, %get3A_182 : vector<32xbf16>
        %get3A_184 = arith.constant 1 : i32
        %get3A_185 = arith.index_cast %get3A_184 : i32 to index
        %get3A_186 = arith.index_cast %scan3A_176 : i32 to index
        %get3A_187 = arith.constant 32 : index
        %get3A_188 = tpu.vector_load %arg7[%get3A_185, %get3A_186, %get3A_187] {strides = array<i32>} : memref<2x104x64xbf16, #tpu.memory_space<vmem>>, vector<1x1x32xbf16>,
        %get3A_189 = vector.shape_cast %get3A_188 : vector<1x1x32xbf16> to vector<32xbf16>
        %max3A_190 = arith.maximumf %max3A_174, %get3A_189 : vector<32xbf16>
        %scan3A_191 = arith.constant 2 : i32
        %scan3A_192 = arith.addi %scan3A_160, %scan3A_191 : i32
        %get3A_193 = arith.constant 1 : i32
        %get3A_194 = arith.index_cast %get3A_193 : i32 to index
        %get3A_195 = arith.index_cast %scan3A_192 : i32 to index
        %get3A_196 = arith.constant 0 : index
        %get3A_197 = tpu.vector_load %arg7[%get3A_194, %get3A_195, %get3A_196] {strides = array<i32>} : memref<2x104x64xbf16, #tpu.memory_space<vmem>>, vector<1x1x32xbf16>,
        %get3A_198 = vector.shape_cast %get3A_197 : vector<1x1x32xbf16> to vector<32xbf16>
        %max3A_199 = arith.maximumf %max3A_183, %get3A_198 : vector<32xbf16>
        %get3A_200 = arith.constant 1 : i32
        %get3A_201 = arith.index_cast %get3A_200 : i32 to index
        %get3A_202 = arith.index_cast %scan3A_192 : i32 to index
        %get3A_203 = arith.constant 32 : index
        %get3A_204 = tpu.vector_load %arg7[%get3A_201, %get3A_202, %get3A_203] {strides = array<i32>} : memref<2x104x64xbf16, #tpu.memory_space<vmem>>, vector<1x1x32xbf16>,
        %get3A_205 = vector.shape_cast %get3A_204 : vector<1x1x32xbf16> to vector<32xbf16>
        %max3A_206 = arith.maximumf %max3A_190, %get3A_205 : vector<32xbf16>
        %scan3A_207 = arith.constant 3 : i32
        %scan3A_208 = arith.addi %scan3A_160, %scan3A_207 : i32
        %get3A_209 = arith.constant 1 : i32
        %get3A_210 = arith.index_cast %get3A_209 : i32 to index
        %get3A_211 = arith.index_cast %scan3A_208 : i32 to index
        %get3A_212 = arith.constant 0 : index
        %get3A_213 = tpu.vector_load %arg7[%get3A_210, %get3A_211, %get3A_212] {strides = array<i32>} : memref<2x104x64xbf16, #tpu.memory_space<vmem>>, vector<1x1x32xbf16>,
        %get3A_214 = vector.shape_cast %get3A_213 : vector<1x1x32xbf16> to vector<32xbf16>
        %max3A_215 = arith.maximumf %max3A_199, %get3A_214 : vector<32xbf16>
        %get3A_216 = arith.constant 1 : i32
        %get3A_217 = arith.index_cast %get3A_216 : i32 to index
        %get3A_218 = arith.index_cast %scan3A_208 : i32 to index
        %get3A_219 = arith.constant 32 : index
        %get3A_220 = tpu.vector_load %arg7[%get3A_217, %get3A_218, %get3A_219] {strides = array<i32>} : memref<2x104x64xbf16, #tpu.memory_space<vmem>>, vector<1x1x32xbf16>,
        %get3A_221 = vector.shape_cast %get3A_220 : vector<1x1x32xbf16> to vector<32xbf16>
        %max3A_222 = arith.maximumf %max3A_206, %get3A_221 : vector<32xbf16>
        %scan3A_223 = arith.constant 4 : i32
        %scan3A_224 = arith.addi %scan3A_160, %scan3A_223 : i32
        %get3A_225 = arith.constant 1 : i32
        %get3A_226 = arith.index_cast %get3A_225 : i32 to index
        %get3A_227 = arith.index_cast %scan3A_224 : i32 to index
        %get3A_228 = arith.constant 0 : index
        %get3A_229 = tpu.vector_load %arg7[%get3A_226, %get3A_227, %get3A_228] {strides = array<i32>} : memref<2x104x64xbf16, #tpu.memory_space<vmem>>, vector<1x1x32xbf16>,
        %get3A_230 = vector.shape_cast %get3A_229 : vector<1x1x32xbf16> to vector<32xbf16>
        %max3A_231 = arith.maximumf %max3A_215, %get3A_230 : vector<32xbf16>
        %get3A_232 = arith.constant 1 : i32
        %get3A_233 = arith.index_cast %get3A_232 : i32 to index
        %get3A_234 = arith.index_cast %scan3A_224 : i32 to index
        %get3A_235 = arith.constant 32 : index
        %get3A_236 = tpu.vector_load %arg7[%get3A_233, %get3A_234, %get3A_235] {strides = array<i32>} : memref<2x104x64xbf16, #tpu.memory_space<vmem>>, vector<1x1x32xbf16>,
        %get3A_237 = vector.shape_cast %get3A_236 : vector<1x1x32xbf16> to vector<32xbf16>
        %max3A_238 = arith.maximumf %max3A_222, %get3A_237 : vector<32xbf16>
        %scan3A_239 = arith.constant 5 : i32
        %scan3A_240 = arith.addi %scan3A_160, %scan3A_239 : i32
        %get3A_241 = arith.constant 1 : i32
        %get3A_242 = arith.index_cast %get3A_241 : i32 to index
        %get3A_243 = arith.index_cast %scan3A_240 : i32 to index
        %get3A_244 = arith.constant 0 : index
        %get3A_245 = tpu.vector_load %arg7[%get3A_242, %get3A_243, %get3A_244] {strides = array<i32>} : memref<2x104x64xbf16, #tpu.memory_space<vmem>>, vector<1x1x32xbf16>,
        %get3A_246 = vector.shape_cast %get3A_245 : vector<1x1x32xbf16> to vector<32xbf16>
        %max3A_247 = arith.maximumf %max3A_231, %get3A_246 : vector<32xbf16>
        %get3A_248 = arith.constant 1 : i32
        %get3A_249 = arith.index_cast %get3A_248 : i32 to index
        %get3A_250 = arith.index_cast %scan3A_240 : i32 to index
        %get3A_251 = arith.constant 32 : index
        %get3A_252 = tpu.vector_load %arg7[%get3A_249, %get3A_250, %get3A_251] {strides = array<i32>} : memref<2x104x64xbf16, #tpu.memory_space<vmem>>, vector<1x1x32xbf16>,
        %get3A_253 = vector.shape_cast %get3A_252 : vector<1x1x32xbf16> to vector<32xbf16>
        %max3A_254 = arith.maximumf %max3A_238, %get3A_253 : vector<32xbf16>
        %scan3A_255 = arith.constant 6 : i32
        %scan3A_256 = arith.addi %scan3A_160, %scan3A_255 : i32
        %get3A_257 = arith.constant 1 : i32
        %get3A_258 = arith.index_cast %get3A_257 : i32 to index
        %get3A_259 = arith.index_cast %scan3A_256 : i32 to index
        %get3A_260 = arith.constant 0 : index
        %get3A_261 = tpu.vector_load %arg7[%get3A_258, %get3A_259, %get3A_260] {strides = array<i32>} : memref<2x104x64xbf16, #tpu.memory_space<vmem>>, vector<1x1x32xbf16>,
        %get3A_262 = vector.shape_cast %get3A_261 : vector<1x1x32xbf16> to vector<32xbf16>
        %max3A_263 = arith.maximumf %max3A_247, %get3A_262 : vector<32xbf16>
        %get3A_264 = arith.constant 1 : i32
        %get3A_265 = arith.index_cast %get3A_264 : i32 to index
        %get3A_266 = arith.index_cast %scan3A_256 : i32 to index
        %get3A_267 = arith.constant 32 : index
        %get3A_268 = tpu.vector_load %arg7[%get3A_265, %get3A_266, %get3A_267] {strides = array<i32>} : memref<2x104x64xbf16, #tpu.memory_space<vmem>>, vector<1x1x32xbf16>,
        %get3A_269 = vector.shape_cast %get3A_268 : vector<1x1x32xbf16> to vector<32xbf16>
        %max3A_270 = arith.maximumf %max3A_254, %get3A_269 : vector<32xbf16>
        %scan3A_271 = arith.constant 7 : i32
        %scan3A_272 = arith.addi %scan3A_160, %scan3A_271 : i32
        %get3A_273 = arith.constant 1 : i32
        %get3A_274 = arith.index_cast %get3A_273 : i32 to index
        %get3A_275 = arith.index_cast %scan3A_272 : i32 to index
        %get3A_276 = arith.constant 0 : index
        %get3A_277 = tpu.vector_load %arg7[%get3A_274, %get3A_275, %get3A_276] {strides = array<i32>} : memref<2x104x64xbf16, #tpu.memory_space<vmem>>, vector<1x1x32xbf16>,
        %get3A_278 = vector.shape_cast %get3A_277 : vector<1x1x32xbf16> to vector<32xbf16>
        %max3A_279 = arith.maximumf %max3A_263, %get3A_278 : vector<32xbf16>
        %get3A_280 = arith.constant 1 : i32
        %get3A_281 = arith.index_cast %get3A_280 : i32 to index
        %get3A_282 = arith.index_cast %scan3A_272 : i32 to index
        %get3A_283 = arith.constant 32 : index
        %get3A_284 = tpu.vector_load %arg7[%get3A_281, %get3A_282, %get3A_283] {strides = array<i32>} : memref<2x104x64xbf16, #tpu.memory_space<vmem>>, vector<1x1x32xbf16>,
        %get3A_285 = vector.shape_cast %get3A_284 : vector<1x1x32xbf16> to vector<32xbf16>
        %max3A_286 = arith.maximumf %max3A_270, %get3A_285 : vector<32xbf16>
        scf.yield %max3A_279, %max3A_286 : vector<32xbf16>, vector<32xbf16>
      }
      %scan3A_142 = arith.constant 104 : i32
      %scan3A_143 = arith.constant 0 : i32
      %scan3A_144 = arith.constant 96 : i32
      %scan3A_145 = arith.addi %scan3A_143, %scan3A_144 : i32
      %scan3A_146 = arith.constant 8 : i32
      %scan3A_147:2 = scf.for %scan3A_160 = %scan3A_143 to %scan3A_145 step %scan3A_146 iter_args(%scan3A_161 = %scan3A_141#0, %scan3A_162 = %scan3A_141#1) -> (vector<32xbf16>, vector<32xbf16>)  : i32 {
        %get3A = arith.constant 1 : i32
        %get3A_163 = arith.index_cast %get3A : i32 to index
        %get3A_164 = arith.index_cast %scan3A_160 : i32 to index
        %get3A_165 = arith.constant 0 : index
        %get3A_166 = tpu.vector_load %arg8[%get3A_163, %get3A_164, %get3A_165] {strides = array<i32>} : memref<2x96x64xbf16, #tpu.memory_space<vmem>>, vector<1x1x32xbf16>,
        %get3A_167 = vector.shape_cast %get3A_166 : vector<1x1x32xbf16> to vector<32xbf16>
        %max3A = arith.maximumf %scan3A_161, %get3A_167 : vector<32xbf16>
        %get3A_168 = arith.constant 1 : i32
        %get3A_169 = arith.index_cast %get3A_168 : i32 to index
        %get3A_170 = arith.index_cast %scan3A_160 : i32 to index
        %get3A_171 = arith.constant 32 : index
        %get3A_172 = tpu.vector_load %arg8[%get3A_169, %get3A_170, %get3A_171] {strides = array<i32>} : memref<2x96x64xbf16, #tpu.memory_space<vmem>>, vector<1x1x32xbf16>,
        %get3A_173 = vector.shape_cast %get3A_172 : vector<1x1x32xbf16> to vector<32xbf16>
        %max3A_174 = arith.maximumf %scan3A_162, %get3A_173 : vector<32xbf16>
        %scan3A_175 = arith.constant 1 : i32
        %scan3A_176 = arith.addi %scan3A_160, %scan3A_175 : i32
        %get3A_177 = arith.constant 1 : i32
        %get3A_178 = arith.index_cast %get3A_177 : i32 to index
        %get3A_179 = arith.index_cast %scan3A_176 : i32 to index
        %get3A_180 = arith.constant 0 : index
        %get3A_181 = tpu.vector_load %arg8[%get3A_178, %get3A_179, %get3A_180] {strides = array<i32>} : memref<2x96x64xbf16, #tpu.memory_space<vmem>>, vector<1x1x32xbf16>,
        %get3A_182 = vector.shape_cast %get3A_181 : vector<1x1x32xbf16> to vector<32xbf16>
        %max3A_183 = arith.maximumf %max3A, %get3A_182 : vector<32xbf16>
        %get3A_184 = arith.constant 1 : i32
        %get3A_185 = arith.index_cast %get3A_184 : i32 to index
        %get3A_186 = arith.index_cast %scan3A_176 : i32 to index
        %get3A_187 = arith.constant 32 : index
        %get3A_188 = tpu.vector_load %arg8[%get3A_185, %get3A_186, %get3A_187] {strides = array<i32>} : memref<2x96x64xbf16, #tpu.memory_space<vmem>>, vector<1x1x32xbf16>,
        %get3A_189 = vector.shape_cast %get3A_188 : vector<1x1x32xbf16> to vector<32xbf16>
        %max3A_190 = arith.maximumf %max3A_174, %get3A_189 : vector<32xbf16>
        %scan3A_191 = arith.constant 2 : i32
        %scan3A_192 = arith.addi %scan3A_160, %scan3A_191 : i32
        %get3A_193 = arith.constant 1 : i32
        %get3A_194 = arith.index_cast %get3A_193 : i32 to index
        %get3A_195 = arith.index_cast %scan3A_192 : i32 to index
        %get3A_196 = arith.constant 0 : index
        %get3A_197 = tpu.vector_load %arg8[%get3A_194, %get3A_195, %get3A_196] {strides = array<i32>} : memref<2x96x64xbf16, #tpu.memory_space<vmem>>, vector<1x1x32xbf16>,
        %get3A_198 = vector.shape_cast %get3A_197 : vector<1x1x32xbf16> to vector<32xbf16>
        %max3A_199 = arith.maximumf %max3A_183, %get3A_198 : vector<32xbf16>
        %get3A_200 = arith.constant 1 : i32
        %get3A_201 = arith.index_cast %get3A_200 : i32 to index
        %get3A_202 = arith.index_cast %scan3A_192 : i32 to index
        %get3A_203 = arith.constant 32 : index
        %get3A_204 = tpu.vector_load %arg8[%get3A_201, %get3A_202, %get3A_203] {strides = array<i32>} : memref<2x96x64xbf16, #tpu.memory_space<vmem>>, vector<1x1x32xbf16>,
        %get3A_205 = vector.shape_cast %get3A_204 : vector<1x1x32xbf16> to vector<32xbf16>
        %max3A_206 = arith.maximumf %max3A_190, %get3A_205 : vector<32xbf16>
        %scan3A_207 = arith.constant 3 : i32
        %scan3A_208 = arith.addi %scan3A_160, %scan3A_207 : i32
        %get3A_209 = arith.constant 1 : i32
        %get3A_210 = arith.index_cast %get3A_209 : i32 to index
        %get3A_211 = arith.index_cast %scan3A_208 : i32 to index
        %get3A_212 = arith.constant 0 : index
        %get3A_213 = tpu.vector_load %arg8[%get3A_210, %get3A_211, %get3A_212] {strides = array<i32>} : memref<2x96x64xbf16, #tpu.memory_space<vmem>>, vector<1x1x32xbf16>,
        %get3A_214 = vector.shape_cast %get3A_213 : vector<1x1x32xbf16> to vector<32xbf16>
        %max3A_215 = arith.maximumf %max3A_199, %get3A_214 : vector<32xbf16>
        %get3A_216 = arith.constant 1 : i32
        %get3A_217 = arith.index_cast %get3A_216 : i32 to index
        %get3A_218 = arith.index_cast %scan3A_208 : i32 to index
        %get3A_219 = arith.constant 32 : index
        %get3A_220 = tpu.vector_load %arg8[%get3A_217, %get3A_218, %get3A_219] {strides = array<i32>} : memref<2x96x64xbf16, #tpu.memory_space<vmem>>, vector<1x1x32xbf16>,
        %get3A_221 = vector.shape_cast %get3A_220 : vector<1x1x32xbf16> to vector<32xbf16>
        %max3A_222 = arith.maximumf %max3A_206, %get3A_221 : vector<32xbf16>
        %scan3A_223 = arith.constant 4 : i32
        %scan3A_224 = arith.addi %scan3A_160, %scan3A_223 : i32
        %get3A_225 = arith.constant 1 : i32
        %get3A_226 = arith.index_cast %get3A_225 : i32 to index
        %get3A_227 = arith.index_cast %scan3A_224 : i32 to index
        %get3A_228 = arith.constant 0 : index
        %get3A_229 = tpu.vector_load %arg8[%get3A_226, %get3A_227, %get3A_228] {strides = array<i32>} : memref<2x96x64xbf16, #tpu.memory_space<vmem>>, vector<1x1x32xbf16>,
        %get3A_230 = vector.shape_cast %get3A_229 : vector<1x1x32xbf16> to vector<32xbf16>
        %max3A_231 = arith.maximumf %max3A_215, %get3A_230 : vector<32xbf16>
        %get3A_232 = arith.constant 1 : i32
        %get3A_233 = arith.index_cast %get3A_232 : i32 to index
        %get3A_234 = arith.index_cast %scan3A_224 : i32 to index
        %get3A_235 = arith.constant 32 : index
        %get3A_236 = tpu.vector_load %arg8[%get3A_233, %get3A_234, %get3A_235] {strides = array<i32>} : memref<2x96x64xbf16, #tpu.memory_space<vmem>>, vector<1x1x32xbf16>,
        %get3A_237 = vector.shape_cast %get3A_236 : vector<1x1x32xbf16> to vector<32xbf16>
        %max3A_238 = arith.maximumf %max3A_222, %get3A_237 : vector<32xbf16>
        %scan3A_239 = arith.constant 5 : i32
        %scan3A_240 = arith.addi %scan3A_160, %scan3A_239 : i32
        %get3A_241 = arith.constant 1 : i32
        %get3A_242 = arith.index_cast %get3A_241 : i32 to index
        %get3A_243 = arith.index_cast %scan3A_240 : i32 to index
        %get3A_244 = arith.constant 0 : index
        %get3A_245 = tpu.vector_load %arg8[%get3A_242, %get3A_243, %get3A_244] {strides = array<i32>} : memref<2x96x64xbf16, #tpu.memory_space<vmem>>, vector<1x1x32xbf16>,
        %get3A_246 = vector.shape_cast %get3A_245 : vector<1x1x32xbf16> to vector<32xbf16>
        %max3A_247 = arith.maximumf %max3A_231, %get3A_246 : vector<32xbf16>
        %get3A_248 = arith.constant 1 : i32
        %get3A_249 = arith.index_cast %get3A_248 : i32 to index
        %get3A_250 = arith.index_cast %scan3A_240 : i32 to index
        %get3A_251 = arith.constant 32 : index
        %get3A_252 = tpu.vector_load %arg8[%get3A_249, %get3A_250, %get3A_251] {strides = array<i32>} : memref<2x96x64xbf16, #tpu.memory_space<vmem>>, vector<1x1x32xbf16>,
        %get3A_253 = vector.shape_cast %get3A_252 : vector<1x1x32xbf16> to vector<32xbf16>
        %max3A_254 = arith.maximumf %max3A_238, %get3A_253 : vector<32xbf16>
        %scan3A_255 = arith.constant 6 : i32
        %scan3A_256 = arith.addi %scan3A_160, %scan3A_255 : i32
        %get3A_257 = arith.constant 1 : i32
        %get3A_258 = arith.index_cast %get3A_257 : i32 to index
        %get3A_259 = arith.index_cast %scan3A_256 : i32 to index
        %get3A_260 = arith.constant 0 : index
        %get3A_261 = tpu.vector_load %arg8[%get3A_258, %get3A_259, %get3A_260] {strides = array<i32>} : memref<2x96x64xbf16, #tpu.memory_space<vmem>>, vector<1x1x32xbf16>,
        %get3A_262 = vector.shape_cast %get3A_261 : vector<1x1x32xbf16> to vector<32xbf16>
        %max3A_263 = arith.maximumf %max3A_247, %get3A_262 : vector<32xbf16>
        %get3A_264 = arith.constant 1 : i32
        %get3A_265 = arith.index_cast %get3A_264 : i32 to index
        %get3A_266 = arith.index_cast %scan3A_256 : i32 to index
        %get3A_267 = arith.constant 32 : index
        %get3A_268 = tpu.vector_load %arg8[%get3A_265, %get3A_266, %get3A_267] {strides = array<i32>} : memref<2x96x64xbf16, #tpu.memory_space<vmem>>, vector<1x1x32xbf16>,
        %get3A_269 = vector.shape_cast %get3A_268 : vector<1x1x32xbf16> to vector<32xbf16>
        %max3A_270 = arith.maximumf %max3A_254, %get3A_269 : vector<32xbf16>
        %scan3A_271 = arith.constant 7 : i32
        %scan3A_272 = arith.addi %scan3A_160, %scan3A_271 : i32
        %get3A_273 = arith.constant 1 : i32
        %get3A_274 = arith.index_cast %get3A_273 : i32 to index
        %get3A_275 = arith.index_cast %scan3A_272 : i32 to index
        %get3A_276 = arith.constant 0 : index
        %get3A_277 = tpu.vector_load %arg8[%get3A_274, %get3A_275, %get3A_276] {strides = array<i32>} : memref<2x96x64xbf16, #tpu.memory_space<vmem>>, vector<1x1x32xbf16>,
        %get3A_278 = vector.shape_cast %get3A_277 : vector<1x1x32xbf16> to vector<32xbf16>
        %max3A_279 = arith.maximumf %max3A_263, %get3A_278 : vector<32xbf16>
        %get3A_280 = arith.constant 1 : i32
        %get3A_281 = arith.index_cast %get3A_280 : i32 to index
        %get3A_282 = arith.index_cast %scan3A_272 : i32 to index
        %get3A_283 = arith.constant 32 : index
        %get3A_284 = tpu.vector_load %arg8[%get3A_281, %get3A_282, %get3A_283] {strides = array<i32>} : memref<2x96x64xbf16, #tpu.memory_space<vmem>>, vector<1x1x32xbf16>,
        %get3A_285 = vector.shape_cast %get3A_284 : vector<1x1x32xbf16> to vector<32xbf16>
        %max3A_286 = arith.maximumf %max3A_270, %get3A_285 : vector<32xbf16>
        scf.yield %max3A_279, %max3A_286 : vector<32xbf16>, vector<32xbf16>
      }
      %scan3A_148 = arith.constant 96 : i32
      %swap3A_149 = arith.index_cast %add3A_110 : i32 to index
      %swap3A_150 = arith.constant 0 : index
      %swap3A_151 = tpu.vector_load %arg9[%swap3A_149, %swap3A_150] {strides = array<i32>} : memref<128x64xbf16, #tpu.memory_space<vmem>>, vector<1x32xbf16>,
      %swap3A_152 = vector.shape_cast %swap3A_151 : vector<1x32xbf16> to vector<32xbf16>
      %swap3A_153 = vector.shape_cast %scan3A_147#0 : vector<32xbf16> to vector<1x32xbf16>
      tpu.vector_store %arg9[%swap3A_149, %swap3A_150], %swap3A_153 {strides = array<i32>} : memref<128x64xbf16, #tpu.memory_space<vmem>>, vector<1x32xbf16>,
      %swap3A_154 = arith.index_cast %add3A_110 : i32 to index
      %swap3A_155 = arith.constant 32 : index
      %swap3A_156 = tpu.vector_load %arg9[%swap3A_154, %swap3A_155] {strides = array<i32>} : memref<128x64xbf16, #tpu.memory_space<vmem>>, vector<1x32xbf16>,
      %swap3A_157 = vector.shape_cast %swap3A_156 : vector<1x32xbf16> to vector<32xbf16>
      %swap3A_158 = vector.shape_cast %scan3A_147#1 : vector<32xbf16> to vector<1x32xbf16>
      tpu.vector_store %arg9[%swap3A_154, %swap3A_155], %swap3A_158 {strides = array<i32>} : memref<128x64xbf16, #tpu.memory_space<vmem>>, vector<1x32xbf16>,
      %scan3A_159 = arith.constant 0 : i32
      scf.yield %scan3A_159 : i32
    }
    %scan3A_31 = arith.constant 64 : i32
    "tpu.region"() ({
      %run_scoped3A = tpu.sem_alloc : memref<!tpu.dma_semaphore, #tpu.memory_space<semaphore_mem>>
      %dma_start3A_32 = arith.constant 0 : i32
      %dma_start3A_33 = tpu.memref_slice %arg4[%mul3A_2, %dma_start3A_32] : memref<4096x64xbf16, #tpu.memory_space<hbm>> -> memref<128x64xbf16, #tpu.memory_space<hbm>>
      %dma_start3A_34 = arith.constant 0 : i32
      %dma_start3A_35 = tpu.memref_slice %arg4[%mul3A_2, %dma_start3A_34] : memref<4096x64xbf16, #tpu.memory_space<hbm>> -> memref<128x64xbf16, #tpu.memory_space<hbm>>
      tpu.enqueue_dma source(%arg9 : memref<128x64xbf16, #tpu.memory_space<vmem>>) target(%dma_start3A_35 : memref<128x64xbf16, #tpu.memory_space<hbm>>) target_semaphore(%run_scoped3A : memref<!tpu.dma_semaphore, #tpu.memory_space<semaphore_mem>>)
      %dma_wait3A = arith.constant 0 : i32
      %dma_wait3A_36 = tpu.memref_slice %arg4[%mul3A_2, %dma_wait3A] : memref<4096x64xbf16, #tpu.memory_space<hbm>> -> memref<128x64xbf16, #tpu.memory_space<hbm>>
      %dma_wait3A_37 = arith.constant 0 : i32
      %dma_wait3A_38 = tpu.memref_slice %arg4[%mul3A_2, %dma_wait3A_37] : memref<4096x64xbf16, #tpu.memory_space<hbm>> -> memref<128x64xbf16, #tpu.memory_space<hbm>>
      tpu.wait_dma2 semaphore(%run_scoped3A : memref<!tpu.dma_semaphore, #tpu.memory_space<semaphore_mem>>) src(%arg9 : memref<128x64xbf16, #tpu.memory_space<vmem>>) dst(%dma_wait3A_38 : memref<128x64xbf16, #tpu.memory_space<hbm>>)
      tpu.yield
    }) : () -> ()
    return
  }
}

module attributes {stable_mosaic.version = 14 : i64} {
  func.func @body(%arg0: i32, %arg1: memref<512x64xbf16, #tpu.memory_space<vmem>>, %arg2: memref<64x128xf32, #tpu.memory_space<vmem>>, %arg3: memref<1x128xf32, #tpu.memory_space<vmem>>, %arg4: memref<512x128xf32, #tpu.memory_space<vmem>>) attributes {dimension_semantics = [#tpu.dimension_semantics<arbitrary>], iteration_bounds = array<i64: 8>, scalar_prefetch = 0 : i64, scratch_operands = 0 : i64, tpu.core_type = #tpu.core_type<tc>, window_params = [{transform_indices = @transform_0, window_bounds = array<i64: 512, 64>}, {pipeline_mode = #tpu.pipeline_mode<synchronous>, transform_indices = @transform_1, window_bounds = array<i64: 64, 128>}, {pipeline_mode = #tpu.pipeline_mode<synchronous>, transform_indices = @transform_2, window_bounds = array<i64: 1, 128>}, {transform_indices = @transform_3, window_bounds = array<i64: 512, 128>}]} {
    %get3A = arith.constant 0 : index
    %get3A_0 = arith.constant 0 : index
    %get3A_1 = vector.load %arg1[%get3A, %get3A_0] : memref<512x64xbf16, #tpu.memory_space<vmem>>, vector<512x64xbf16>
    %convert_element_type3A = arith.extf %get3A_1 : vector<512x64xbf16> to vector<512x64xf32>
    %get3A_2 = arith.constant 0 : index
    %get3A_3 = arith.constant 0 : index
    %get3A_4 = vector.load %arg2[%get3A_2, %get3A_3] : memref<64x128xf32, #tpu.memory_space<vmem>>, vector<64x128xf32>
    %dot_general3A = arith.constant dense<0.000000e+00> : vector<512x128xf32>
    %dot_general3A_5 = tpu.matmul %convert_element_type3A, %get3A_4, %dot_general3A {dimension_numbers = #tpu.dot_dimension_numbers<[1], [0], [0], [1], [0, 0, 1, 1], [], []>, transpose_lhs_hint = false} : vector<512x64xf32>, vector<64x128xf32>, vector<512x128xf32> -> vector<512x128xf32>
    %get3A_6 = arith.constant 0 : index
    %get3A_7 = arith.constant 0 : index
    %get3A_8 = vector.load %arg3[%get3A_6, %get3A_7] : memref<1x128xf32, #tpu.memory_space<vmem>>, vector<1x128xf32>
    %add3A = vector.broadcast %get3A_8 : vector<1x128xf32> to vector<512x128xf32>
    %add3A_9 = arith.addf %dot_general3A_5, %add3A : vector<512x128xf32>
    %iota3A = tpu.iota {dimensions = array<i32: 1>} : vector<512x128xi32>
    %lt3A = arith.constant 10 : i32
    %lt3A_10 = vector.broadcast %lt3A : i32 to vector<512x128xi32>
    %lt3A_11 = arith.cmpi slt, %iota3A, %lt3A_10 : vector<512x128xi32>
    %jit3A = arith.constant 0xFF800000 : f32
    %broadcast_in_dim3A = vector.broadcast %jit3A : f32 to vector<512x128xf32>
    %select_n3A = arith.select %lt3A_11, %add3A_9, %broadcast_in_dim3A : vector<512x128xi1>, vector<512x128xf32>
    %reduce_max3A = arith.constant dense<0xFF800000> : vector<512xf32>
    %reduce_max3A_12 = vector.multi_reduction <maximumf>, %select_n3A, %reduce_max3A [1] : vector<512x128xf32> to vector<512xf32>
    %broadcast_in_dim3A_13 = vector.shape_cast %reduce_max3A_12 : vector<512xf32> to vector<512x1xf32>
    %sub3A = vector.broadcast %broadcast_in_dim3A_13 : vector<512x1xf32> to vector<512x128xf32>
    %sub3A_14 = arith.subf %select_n3A, %sub3A : vector<512x128xf32>
    %exp3A = math.exp %sub3A_14 : vector<512x128xf32>
    %jit3A_15 = arith.constant 0.000000e+00 : f32
    %broadcast_in_dim3A_16 = vector.broadcast %jit3A_15 : f32 to vector<512x128xf32>
    %select_n3A_17 = arith.select %lt3A_11, %exp3A, %broadcast_in_dim3A_16 : vector<512x128xi1>, vector<512x128xf32>
    %reduce_sum3A = arith.constant dense<0.000000e+00> : vector<512xf32>
    %reduce_sum3A_18 = vector.multi_reduction <add>, %select_n3A_17, %reduce_sum3A [1] : vector<512x128xf32> to vector<512xf32>
    %broadcast_in_dim3A_19 = vector.shape_cast %reduce_sum3A_18 : vector<512xf32> to vector<512x1xf32>
    %div3A = vector.broadcast %broadcast_in_dim3A_19 : vector<512x1xf32> to vector<512x128xf32>
    %div3A_20 = arith.divf %select_n3A_17, %div3A : vector<512x128xf32>
    %swap3A = arith.constant 0 : index
    %swap3A_21 = arith.constant 0 : index
    %swap3A_22 = vector.load %arg4[%swap3A, %swap3A_21] : memref<512x128xf32, #tpu.memory_space<vmem>>, vector<512x128xf32>
    tpu.vector_store %arg4[%swap3A, %swap3A_21], %div3A_20 {strides = array<i32>} : memref<512x128xf32, #tpu.memory_space<vmem>>, vector<512x128xf32>,
    return
  }
  func.func @transform_0(%arg0: i32) -> (i32, i32) {
    %c0_i32 = arith.constant 0 : i32
    %c0_i32_0 = arith.constant 0 : i32
    return %arg0, %c0_i32 : i32, i32
  }
  func.func @transform_1(%arg0: i32) -> (i32, i32) {
    %c0_i32 = arith.constant 0 : i32
    %c0_i32_0 = arith.constant 0 : i32
    %c0_i32_1 = arith.constant 0 : i32
    return %c0_i32, %c0_i32_0 : i32, i32
  }
  func.func @transform_2(%arg0: i32) -> (i32, i32) {
    %c0_i32 = arith.constant 0 : i32
    %c0_i32_0 = arith.constant 0 : i32
    %c0_i32_1 = arith.constant 0 : i32
    return %c0_i32, %c0_i32_0 : i32, i32
  }
  func.func @transform_3(%arg0: i32) -> (i32, i32) {
    %c0_i32 = arith.constant 0 : i32
    %c0_i32_0 = arith.constant 0 : i32
    return %arg0, %c0_i32 : i32, i32
  }
}

</mosaic_0001>

<sc_bundles>
// kernel: kernel.4.cloned.1.call-start
scs
__scs_entry_jumppad:
0x0: {  	(pc) =	sbr.rel $0x88, $3  }
0x1: {  	(tag) =	ssettag $0x0;
	lr =	simm.s32 $0x1  }
0x2: {  	[smem:$0x3F9D] =	sst lr;
	_ =	strace $0xD0000000  }
0x3: {  	_ = 	snop  }
0x4: {  	_ = 	snop  }
0x5: {  	_ = 	snop  }
0x6: {  	_ = 	snop  }
0x7: {  	_ = 	snop  }
__scs_overlays_trampoline_lowered:
0x8: {  	[smem:$0x3FAC] =	sst s0  }
0x9: {  	[smem:$0x3FAD] =	sst s1  }
0xa: {  	[smem:$0x3FAE] =	sst s2  }
0xb: {  	[smem:$0x3FAF] =	sst s3  }
0xc: {  	[smem:$0x3FB0] =	sst s4  }
0xd: {  	[smem:$0x3FB1] =	sst s5  }
0xe: {  	[smem:$0x3FB2] =	sst s6  }
0xf: {  	[smem:$0x3FB3] =	sst s7  }
0x10: {  	[smem:$0x3FB4] =	sst s8  }
0x11: {  	[smem:$0x3FB5] =	sst s9;
	s0 =	simm.s32 @!p0 $0x0  }
0x12: {  	s1 =	sld [smem:$0x3F9B];
	s0 =	simm.s32 @p0 $0x1  }
0x13: {  	[smem:$0x3FB6] =	sst s0;
	s0 =	simm.s32 @!p1 $0x0  }
0x14: {  	s2 =	sld [smem:$0x3F9A];
	s0 =	simm.s32 @p1 $0x1  }
0x15: {  	[smem:$0x3FB7] =	sst s0;
	s0 =	simm.s32 @!p2 $0x0  }
0x16: {  	s3 =	sld [smem:$0x3FDB];
	s0 =	simm.s32 @p2 $0x1  }
0x17: {  	s4 =	simm.s32 $0x1BF5;
	[smem:$0x3FB9] =	sst s0  }
0x18: {  	s0 =	sld [smem:$0x3F9C];
	_ =	swait.ge [sflag:s4], $0x0  }
0x19: {  	s7 =	sld [smem:$0x3F9D]  }
0x1a: {  	s8 =	sadd.s32 $0xFFFFE003, lr  }
0x1b: {  	s9 =	sadd.s32 $0xFFFFFEF7, lr;
	s5 =	simm.s32 $0xFFFFFFFF;
	p2 =	slt.u32 s8, $0xFFFFF086  }
0x1c: {  	p1 =	slt.u32 s9, $0xF7A;
	s5 =	simm.s32 @!p2 $0x0  }
0x1d: {  	s5 =	simm.s32 @p1 $0x1;
	p0 =	seq.s32 s7, s2  }
0x1e: {  	s7 =	smul.u32 @!p0 $0xF7A, s2;
	p2 =	seq.s32 @!p0 s5, $0x0  }
0x1f: {  	s9 =	smul.u32 $0xF7A, s1;
	s8 =	simm.s32 @!p0 $0x1BF5;
	p2 =	por !p2, p0  }
0x20: {  	[sflag:s8] =	ssyncset.s32 @!p0 $0xFFFFF086;
	s6 =	sadd.s32 @!p0 s3, s7;
	s7 =	simm.s32 @!p0 $0x108  }
0x21: {  	s3 =	sadd.s32 s3, s9;
	s6 =	sadd.s32 @!p0 $0x88, s6;
	s7 =	simm.s32 @p2 $0x1082  }
0x22: {  	[simem:s7], [sflag:s8] =	dma.local @!p0 [hbm:s6], $0xF7A  }
0x23: {  	s9 =	sor.u32 $0xD0000000, s2;
	s6 =	simm.s32 $0x108;
	_ =	swait.ge @!p0 [sflag:s8], $0x0  }
0x24: {  	s3 =	sadd.s32 $0x88, s3;
	s6 =	simm.s32 @!p1 $0x1082;
	[sflag:s4] =	ssyncset.s32 $0xFFFFF086  }
0x25: {  	[simem:s6], [sflag:s4] =	dma.local [hbm:s3], $0xF7A  }
0x26: {  	[smem:$0x3F9D] =	sst s1;
	(tag) =	ssettag s2;
	_ =	strace s9  }
0x27: {  	s1 =	sld [smem:$0x3FAD]  }
0x28: {  	s2 =	sld [smem:$0x3FAE]  }
0x29: {  	s4 =	sld [smem:$0x3FB0]  }
0x2a: {  	p0 =	seq.s32 s5, $0x0;
	s5 =	sld [smem:$0x3FB1]  }
0x2b: {  	s6 =	sld [smem:$0x3FB2]  }
0x2c: {  	s7 =	sld [smem:$0x3FB3]  }
0x2d: {  	s3 =	simm.s32 $0x108;
	s8 =	sld [smem:$0x3FB4]  }
0x2e: {  	s3 =	simm.s32 @!p0 $0x1082;
	s9 =	sld [smem:$0x3FB5]  }
0x2f: {  	lr =	sadd.s32 s0, s3;
	s0 =	sld [smem:$0x3FAC]  }
0x30: {  	s3 =	sld [smem:$0x3FAF]  }
0x31: {  	[smem:$0x3FB8] =	sst s10  }
0x32: {  	s10 =	sld [smem:$0x3FB6];
	_ =	sdelay $0x3  }
0x33: {  	p0 =	seq.s32 s10, $0x1;
	s10 =	sld [smem:$0x3FB8];
	_ =	sdelay $0x3  }
0x34: {  	[smem:$0x3FB8] =	sst s10  }
0x35: {  	s10 =	sld [smem:$0x3FB7];
	_ =	sdelay $0x3  }
0x36: {  	p1 =	seq.s32 s10, $0x1;
	s10 =	sld [smem:$0x3FB8];
	_ =	sdelay $0x3  }
0x37: {  	[smem:$0x3FB8] =	sst s10  }
0x38: {  	s10 =	sld [smem:$0x3FB9]  }
0x39: {  	_ = 	snop;
	(pc) =	sbr.ind lr, $3  }
0x3a: {  	_ = 	snop  }
0x3b: {  	_ = 	snop  }
0x3c: {  	p2 =	seq.s32 s10, $0x1;
	s10 =	sld [smem:$0x3FB8]  }
0x3d: {  	_ =	shalt  }
0x3e: {  	_ =	shalt  }
0x3f: {  	_ =	shalt  }
0x40: {  	_ =	shalt  }
0x41: {  	_ =	shalt  }
0x42: {  	_ =	shalt  }
0x43: {  	_ =	shalt  }
0x44: {  	_ =	shalt  }
0x45: {  	_ =	shalt  }
0x46: {  	_ =	shalt  }
0x47: {  	_ =	shalt  }
0x48: {  	_ =	shalt  }
0x49: {  	_ =	shalt  }
0x4a: {  	_ =	shalt  }
0x4b: {  	_ =	shalt  }
0x4c: {  	_ =	shalt  }
0x4d: {  	_ =	shalt  }
0x4e: {  	_ =	shalt  }
0x4f: {  	_ =	shalt  }
0x50: {  	_ =	shalt  }
0x51: {  	_ =	shalt  }
0x52: {  	_ =	shalt  }
0x53: {  	_ =	shalt  }
0x54: {  	_ =	shalt  }
0x55: {  	_ =	shalt  }
0x56: {  	_ =	shalt  }
0x57: {  	_ =	shalt  }
0x58: {  	_ =	shalt  }
0x59: {  	_ =	shalt  }
0x5a: {  	_ =	shalt  }
0x5b: {  	_ =	shalt  }
0x5c: {  	_ =	shalt  }
0x5d: {  	_ =	shalt  }
0x5e: {  	_ =	shalt  }
0x5f: {  	_ =	shalt  }
0x60: {  	_ =	shalt  }
0x61: {  	_ =	shalt  }
0x62: {  	_ =	shalt  }
0x63: {  	_ =	shalt  }
0x64: {  	_ =	shalt  }
0x65: {  	_ =	shalt  }
0x66: {  	_ =	shalt  }
0x67: {  	_ =	shalt  }
0x68: {  	_ =	shalt  }
0x69: {  	_ =	shalt  }
0x6a: {  	_ =	shalt  }
0x6b: {  	_ =	shalt  }
0x6c: {  	_ =	shalt  }
0x6d: {  	_ =	shalt  }
0x6e: {  	_ =	shalt  }
0x6f: {  	_ =	shalt  }
0x70: {  	_ =	shalt  }
0x71: {  	_ =	shalt  }
0x72: {  	_ =	shalt  }
0x73: {  	_ =	shalt  }
0x74: {  	_ =	shalt  }
0x75: {  	_ =	shalt  }
0x76: {  	_ =	shalt  }
0x77: {  	_ =	shalt  }
0x78: {  	_ =	shalt  }
0x79: {  	_ =	shalt  }
0x7a: {  	_ =	shalt  }
0x7b: {  	_ =	shalt  }
0x7c: {  	_ =	shalt  }
0x7d: {  	_ =	shalt  }
0x7e: {  	_ =	shalt  }
0x7f: {  	_ =	shalt  }
0x80: {  	_ =	shalt  }
0x81: {  	_ =	shalt  }
0x82: {  	_ =	shalt  }
0x83: {  	_ =	shalt  }
0x84: {  	_ =	shalt  }
0x85: {  	_ =	shalt  }
0x86: {  	_ =	shalt  }
0x87: {  	_ =	shalt  }
.Lfunc_end0:
.L_simem_size_0:
called_computation_lowered:
.L_overlay_start_0:
0x88: {  	s2 =	sld [smem:$0x3FD9]  }
0x89: {  	s3 =	sld [smem:$0x3FFE];
	_ =	sdelay $0x1  }
0x8a: {  	s1 =	srdreg.scid  }
0x8b: {  	s0 =	sand.u32 $0x1, s1  }
0x8c: {  	s16 =	sshll.u32 s0, $0xA;
	s2 =	sadd.s32 s3, s2  }
0x8d: {  	s2 =	sadd.s32 s2, s16  }
0x8e: {  	[smem:$0x3FC4] =	sst s2  }
0x8f: {  	_ = 	snop  }
0x90: {  	(tm) =	ssettm $0x1  }
0x91: {  	s17 =	sld [smem:$0x3FFB];
	_ =	sdelay $0x3  }
0x92: {  	_ =	strace s17  }
0x93: {  	s2 =	sld [smem:$0x3FFC];
	_ =	sdelay $0x3  }
0x94: {  	_ =	strace s2  }
0x95: {  	s2 =	sld [smem:$0x3FFD];
	_ =	sdelay $0x3  }
0x96: {  	_ =	strace s2  }
0x97: {  	_ =	strace $0x8FFFFFFF  }
0x98: {  	s18 =	sld [smem:$0x3FDB];
	_ =	sdelay $0x1  }
0x99: {  	s19 =	simm.s32 $_scs_section_size  }
0x9a: {  	s4 =	simm.s32 $_size__tile_overlayer_lowered;
	s5 =	simm.s32 $_tile_overlayer_lowered  }
0x9b: {  	s22 =	simm.s32 $0x1BFF;
	s21 =	sshll.u32 s5, $0x1;
	s2 =	sadd.s32 s19, s18  }
0x9c: {  	s6 =	simm.s32 $0x0;
	s20 =	sshll.u32 s4, $0x1;
	s4 =	sadd.s32 s21, s2  }
0x9d: {  	[timem:s6], [sflag:s22] =	dma.local [hbm:s4], s20  }
0x9e: {  	_ =	swait.ge [sflag:s22], s20  }
0x9f: {  	s3 =	ssub.s32 $0x0, s20;
	[sflag:s22] =	ssyncset.done $0x0  }
0xa0: {  	[sflag:s22] =	ssyncadd.s32 s3;
	_ =	sdelay $0x1  }
0xa1: {  	s23 =	simm.s32 $0x1B8B  }
0xa2: {  	_ =	swait.ge [sflag:s23], $0x1  }
0xa3: {  	[sflag:s23] =	ssyncset.done $0x0  }
0xa4: {  	s25 =	simm.s32 $0x1B8E;
	s24 =	sld [smem:$0x3FFE];
	[sflag:s23] =	ssyncadd.s32 $0xFFFFFFFF  }
0xa5: {  	s26 =	simm.s32 $execute0_lowered;
	[smem:$0x3FD2] =	sst s25  }
0xa6: {  	s4 =	sshll.u32 s26, $0x1;
	_ =	strace $0x80000046;
	[dreg:$0x1] =	wrdreg $0xFFFFFFFF  }
0xa7: {  	s28 =	simm.s32 $_size_execute0_lowered;
	s2 =	sadd.s32 s2, s4;
	[dreg:$0x0] =	wrdreg $0x0  }
0xa8: {  	s4 =	sshll.u32 s28, $0x1;
	[dreg:$0x2] =	wrdreg s2  }
0xa9: {  	[dreg:$0x3] =	wrdreg s4  }
0xaa: {  	[dreg:$0x4] =	wrdreg $0xC0  }
0xab: {  	_ =	task [dreg:s6], $0x5FFFF  }
0xac: {  	[dreg:$0x1] =	wrdreg $0xFFFFFFFF  }
0xad: {  	[dreg:$0x0] =	wrdreg $0x60  }
0xae: {  	[dreg:$0x2] =	wrdreg s24  }
0xaf: {  	[dreg:$0x3] =	wrdreg $0x9  }
0xb0: {  	_ =	task.clear_ibuf [dreg:s6], $0x4FFFF;
	_ =	strace $0x90000046  }
0xb1: {  	s29 =	simm.s32 $0x9;
	_ =	strace $0x80000048  }
0xb2: {  	_ =	swait.ge [sflag:s29], $0x1  }
0xb3: {  	[sflag:s29] =	ssyncadd.s32 $0xFFFFFFFF  }
0xb4: {  	_ =	strace $0x90000048  }
0xb5: {  	_ =	sfence  }
0xb6: {  	s30 =	sld [smem:$0x0];
	_ =	sdelay $0x2  }
0xb7: {  	s31 =	sshll.u32 s1, $0xD;
	s1 =	sshrl.u32 s1, $0x2  }
0xb8: {  	s3 =	sand.u32 $0x4000, s31;
	s1 =	sadd.s32 s1, s30  }
0xb9: {  	s0 =	sor.u32 s3, s0;
	s1 =	sshll.u32 s1, $0x11  }
0xba: {  	s0 =	sor.u32 s1, s0  }
0xbb: {  	s0 =	sadd.s32 $0x8F2B, s0  }
0xbc: {  	[sflag:s0] =	ssyncadd.remote.s32 $0x1  }
0xbd: {  	_ =	sfence.sel $0xFFFF  }
0xbe: {  	[dreg:$0x0] =	wrdreg $0xFFFFFFFF;
	(pc) =	sbr.abs _section_cstart, $3  }
0xbf: {  	[dreg:$0x1] =	wrdreg $0xFFFFFFFF  }
0xc0: {  	_ =	task.clear_ibuf [dreg:s6], $0x2FFFF;
	_ =	strace $0x9FFFFFFF  }
0xc1: {  	(tm) =	ssettm $0x7FFFFFFF  }
tec
execute0_lowered:
.L_overlay_start_1:
0x0: {  	(tag) =	ssettag $0x1  }
0x1: {  	s1 =	srdreg.scid  }
0x2: {  	s0 =	stileid.u32;
	s4 =	rddreg [dreg:$0x0]  }
0x3: {  	s2 =	simm.s32 $0x0;
	s9 =	simm.s32 $0xC8;
	s10 =	simm.s32 $0x3  }
0x4: {  	s11 =	simm.s32 $0x60;
	s12 =	simm.s32 $0x3400;
	s13 =	simm.s32 $0x6400  }
0x5: {  	s14 =	simm.s32 $0x7E00;
	s15 =	simm.s32 $0x7100;
	s16 =	simm.s32 $0x8A00  }
0x6: {  	s17 =	simm.s32 $0x1;
	s18 =	simm.s32 $0x2;
	s3 =	sand.u32 $0x1, s1  }
0x7: {  	s19 =	simm.s32 $0x9600;
	s5 =	sshll.u32 s0, $0x8;
	s6 =	sshll.u32 s3, $0x7  }
0x8: {  	s20 =	simm.s32 $0x0;
	s1 =	rddreg [dreg:$0x1];
	s5 =	sor.u32 s6, s5  }
0x9: {  	[smem:$0x7FF] =	sst s2;
	s7 =	ssub.s32 $0x2, s3;
	s6 =	smul.u32 $0x19, s5  }
0xa: {  	_ =	strace $0x80000047;
	s3 =	sadd.s32 $0x600, s4;
	s31 =	sshrl.u32 s7, $0x1  }
0xb: {  	s5 =	sshll.u32 s5, $0x2;
	s7 =	ssub.s32 s7, s31;
	s6 =	sadd.s32 s6, s4  }
0xc: {  	s8 =	sadd.s32 s5, s4;
	s7 =	smax.u32 s7, $0x1;
	s4 =	sadd.s32 $0x62200, s6  }
0xd: {  	s5 =	sadd.s32 $0x6220D, s6;
	s6 =	sadd.s32 $0x7B200, s8;
	s8 =	simm.s32 $0x68  }
.LBB2_1:
0xe: {  	[tilespmem:s2], [sflag:$0x3] =	stream.strided.gather [hbm4b:s4+s8], $0x3400, s9, s8, $0x38;
	[tilespmem:$0xA600] =	vst v63  }
0xf: {  	_ =	swait.ge [sflag:s10], $0x3400  }
0x10: {  	[sflag:s10] =	ssyncset.done $0x0  }
0x11: {  	[sflag:s10] =	ssyncadd.s32 $0xFFFFCC00  }
0x12: {  	[tilespmem:s12], [sflag:$0x3] =	stream.strided.gather [hbm4b:s5+s11], $0x3000, s9, s11, $0x38;
	[tilespmem:$0xA600] =	vst v63  }
0x13: {  	_ =	swait.ge [sflag:s10], $0x3000  }
0x14: {  	[sflag:s10] =	ssyncset.done $0x0  }
0x15: {  	[sflag:s10] =	ssyncadd.s32 $0xFFFFD000  }
0x16: {  	[tilespmem:s13], [sflag:$0x1] =	stream.indirect.gather [hbm4b:s3+s8], $0x20, s2, s8, $0xb8;
	[tilespmem:$0xA600] =	vst v63  }
0x17: {  	s22 =	simm.s32 $0x0  }
0x18: {  	[tilespmem:s14], [sflag:$0x1] =	stream.indirect.gather [hbm4b:s3+s11], $0x20, s12, s11, $0xb8;
	[tilespmem:$0xA600] =	vst v63  }
.LBB2_2:
0x19: {  	s21 =	sshllo.u32 s22, $0x1  }
0x1a: {  	s23 =	smul.u32 $0x1A0, s21  }
0x1b: {  	s24 =	smul.u32 $0x180, s21;
	_ =	sdelay $0x1  }
0x1c: {  	s23 =	sshra.s32 s23, $0x2;
	s30 =	sshra.s32 s24, $0x2  }
0x1d: {  	[tilespmem:s15], [sflag:$0x2] =	stream.indirect.gather [hbm4b:s3+s8], $0x20, s23, s8, $0xb8;
	[tilespmem:$0xA600] =	vst v63  }
0x1e: {  	s23 =	sadd.s32 $0x3400, s30  }
0x1f: {  	[tilespmem:s16], [sflag:$0x2] =	stream.indirect.gather [hbm4b:s3+s11], $0x20, s23, s11, $0xb8;
	[tilespmem:$0xA600] =	vst v63  }
0x20: {  	_ =	swait.ge [sflag:s17], $0xD00  }
0x21: {  	[sflag:s17] =	ssyncset.done $0x0  }
0x22: {  	[sflag:s17] =	ssyncadd.s32 $0xFFFFF300  }
0x23: {  	_ =	swait.ge [sflag:s17], $0xC00  }
0x24: {  	[sflag:s17] =	ssyncset.done $0x0  }
0x25: {  	s31 =	simm.s32 $0x6480;
	[sflag:s17] =	ssyncadd.s32 $0xFFFFF400  }
0x26: {  	v0 =	vld [tilespmem:s31+$0x60]  }
0x27: {  	v4 =	vld [tilespmem:s31+$0x40]  }
0x28: {  	v2 =	vld [tilespmem:s31+$0x20]  }
0x29: {  	v6 =	vld [tilespmem:s31+$0x0]  }
0x2a: {  	v8 =	vld [tilespmem:s31+$0xFFFFFFE0]  }
0x2b: {  	v1 =	vld [tilespmem:s31+$0xFFFFFFC0]  }
0x2c: {  	v3 =	vld [tilespmem:s31+$0xFFFFFFA0]  }
0x2d: {  	v5 =	vld [tilespmem:s31+$0xFFFFFF80]  }
0x2e: {  	v7 =	vld [tilespmem:s31+$0xFFFFFF90]  }
0x2f: {  	v9 =	vld [tilespmem:s31+$0xFFFFFFB0]  }
0x30: {  	v13 =	vld [tilespmem:s31+$0xFFFFFFD0]  }
0x31: {  	v14 =	vld [tilespmem:s31+$0xFFFFFFF0]  }
0x32: {  	v11 =	vimm.bf16 $-Inf;
	v10 =	vld [tilespmem:s31+$0x10]  }
0x33: {  	v5 =	vmax.bf16 v11, v5;
	v7 =	vmax.bf16 v11, v7;
	v11 =	vld [tilespmem:s31+$0x30]  }
0x34: {  	v12 =	vld [tilespmem:s31+$0x50];
	v3 =	vmax.bf16 v5, v3;
	v5 =	vmax.bf16 v7, v9  }
0x35: {  	s25 =	simm.s32 $0x0;
	s26 =	simm.s32 $0x6580;
	s23 =	sshll.u32 s22, $0x1;
	v15 =	vmax.bf16 v3, v1;
	v16 =	vmax.bf16 v5, v13;
	v13 =	vld [tilespmem:s31+$0x70]  }
.LBB2_3:
0x36: {  	v1 =	vld [tilespmem:s26+$0x60];
	v3 =	vmax.bf16 v15, v8;
	v5 =	vmax.bf16 v16, v14  }
0x37: {  	v7 =	vld [tilespmem:s26+$0x40];
	v3 =	vmax.bf16 v3, v6;
	v5 =	vmax.bf16 v5, v10  }
0x38: {  	v3 =	vmax.bf16 v3, v2;
	v2 =	vld [tilespmem:s26+$0x20];
	v5 =	vmax.bf16 v5, v11  }
0x39: {  	v6 =	vld [tilespmem:s26+$0x0];
	v3 =	vmax.bf16 v3, v4;
	v4 =	vmax.bf16 v5, v12  }
0x3a: {  	s24 =	simm.s32 $0x7E80;
	v8 =	vld [tilespmem:s26+$0xFFFFFFE0];
	v3 =	vmax.bf16 v3, v0;
	v5 =	vmax.bf16 v4, v13  }
0x3b: {  	v9 =	vld [tilespmem:s26+$0xFFFFFFC0];
	v0 =	vmov v1  }
0x3c: {  	v1 =	vld [tilespmem:s26+$0xFFFFFFA0];
	v4 =	vmov v7  }
0x3d: {  	v7 =	vld [tilespmem:s26+$0xFFFFFF80]  }
0x3e: {  	s25 =	sadd.s32 $0x8, s25;
	v11 =	vld [tilespmem:s26+$0xFFFFFF90]  }
0x3f: {  	p0 =	slt.u32 s25, $0x60;
	v12 =	vld [tilespmem:s26+$0xFFFFFFB0]  }
0x40: {  	v13 =	vld [tilespmem:s26+$0xFFFFFFD0]  }
.Ltmp0:
0x41: {  	v14 =	vld [tilespmem:s26+$0xFFFFFFF0];
	(pc) =	sbr.rel @p0 .LBB2_3-.Ltmp0, $4  }
0x42: {  	v10 =	vld [tilespmem:s26+$0x10]  }
0x43: {  	v3 =	vmax.bf16 v3, v7;
	v5 =	vmax.bf16 v5, v11;
	v11 =	vld [tilespmem:s26+$0x30]  }
0x44: {  	v1 =	vmax.bf16 v3, v1;
	v3 =	vmax.bf16 v5, v12;
	v12 =	vld [tilespmem:s26+$0x50]  }
0x45: {  	v15 =	vmax.bf16 v1, v9;
	v16 =	vmax.bf16 v3, v13;
	v13 =	vld [tilespmem:s26+$0x70];
	s26 =	sadd.s32 $0x100, s26  }
0x46: {  	v1 =	vld [tilespmem:s24+$0x60]  }
0x47: {  	v5 =	vld [tilespmem:s24+$0x40]  }
0x48: {  	v3 =	vld [tilespmem:s24+$0x20]  }
0x49: {  	v7 =	vld [tilespmem:s24+$0x0]  }
0x4a: {  	v9 =	vld [tilespmem:s24+$0xFFFFFFE0]  }
0x4b: {  	v17 =	vld [tilespmem:s24+$0xFFFFFFC0]  }
0x4c: {  	v18 =	vld [tilespmem:s24+$0xFFFFFFA0]  }
0x4d: {  	v19 =	vld [tilespmem:s24+$0xFFFFFF80]  }
0x4e: {  	v8 =	vmax.bf16 v15, v8;
	v14 =	vmax.bf16 v16, v14;
	v62 =	vld [tilespmem:s24+$0xFFFFFF90]  }
0x4f: {  	v6 =	vmax.bf16 v8, v6;
	v8 =	vmax.bf16 v14, v10;
	v10 =	vld [tilespmem:s24+$0xFFFFFFB0]  }
0x50: {  	v2 =	vmax.bf16 v6, v2;
	v6 =	vmax.bf16 v8, v11;
	v11 =	vld [tilespmem:s24+$0xFFFFFFD0]  }
0x51: {  	v8 =	vld [tilespmem:s24+$0xFFFFFFF0];
	v2 =	vmax.bf16 v2, v4;
	v4 =	vmax.bf16 v6, v12  }
0x52: {  	v0 =	vmax.bf16 v2, v0;
	v4 =	vmax.bf16 v4, v13;
	v2 =	vld [tilespmem:s24+$0x10]  }
0x53: {  	v0 =	vmax.bf16 v0, v19;
	v6 =	vmax.bf16 v4, v62;
	v4 =	vld [tilespmem:s24+$0x30]  }
0x54: {  	v63 =	vmax.bf16 v0, v18;
	v6 =	vmax.bf16 v6, v10;
	v0 =	vld [tilespmem:s24+$0x50]  }
0x55: {  	s25 =	simm.s32 $0x0;
	v10 =	vmax.bf16 v63, v17;
	v11 =	vmax.bf16 v6, v11;
	v6 =	vld [tilespmem:s24+$0x70];
	s24 =	simm.s32 $0x7F80  }
.LBB2_5:
0x56: {  	v12 =	vld [tilespmem:s24+$0x60];
	v9 =	vmax.bf16 v10, v9;
	v8 =	vmax.bf16 v11, v8  }
0x57: {  	v10 =	vld [tilespmem:s24+$0x40];
	v7 =	vmax.bf16 v9, v7;
	v2 =	vmax.bf16 v8, v2  }
0x58: {  	v8 =	vmax.bf16 v7, v3;
	v3 =	vld [tilespmem:s24+$0x20];
	v2 =	vmax.bf16 v2, v4  }
0x59: {  	v7 =	vld [tilespmem:s24+$0x0];
	v4 =	vmax.bf16 v8, v5;
	v0 =	vmax.bf16 v2, v0  }
0x5a: {  	v9 =	vld [tilespmem:s24+$0xFFFFFFE0];
	v4 =	vmax.bf16 v4, v1;
	v0 =	vmax.bf16 v0, v6  }
0x5b: {  	v6 =	vld [tilespmem:s24+$0xFFFFFFC0];
	v1 =	vmov v12  }
0x5c: {  	v11 =	vld [tilespmem:s24+$0xFFFFFFA0];
	v5 =	vmov v10  }
0x5d: {  	v10 =	vld [tilespmem:s24+$0xFFFFFF80]  }
0x5e: {  	s25 =	sadd.s32 $0x8, s25;
	v12 =	vld [tilespmem:s24+$0xFFFFFF90]  }
0x5f: {  	p0 =	slt.u32 s25, $0x58;
	v13 =	vld [tilespmem:s24+$0xFFFFFFB0]  }
0x60: {  	v14 =	vld [tilespmem:s24+$0xFFFFFFD0]  }
.Ltmp1:
0x61: {  	v8 =	vld [tilespmem:s24+$0xFFFFFFF0];
	(pc) =	sbr.rel @p0 .LBB2_5-.Ltmp1, $4  }
0x62: {  	v2 =	vld [tilespmem:s24+$0x10]  }
0x63: {  	v10 =	vmax.bf16 v4, v10;
	v0 =	vmax.bf16 v0, v12;
	v4 =	vld [tilespmem:s24+$0x30]  }
0x64: {  	v10 =	vmax.bf16 v10, v11;
	v11 =	vmax.bf16 v0, v13;
	v0 =	vld [tilespmem:s24+$0x50]  }
0x65: {  	v10 =	vmax.bf16 v10, v6;
	v11 =	vmax.bf16 v11, v14;
	v6 =	vld [tilespmem:s24+$0x70];
	s24 =	sadd.s32 $0x100, s24  }
0x66: {  	v9 =	vmax.bf16 v10, v9  }
0x67: {  	v8 =	vmax.bf16 v11, v8;
	p0 =	seq.s32 s22, $0x3F;
	v7 =	vmax.bf16 v9, v7  }
0x68: {  	v2 =	vmax.bf16 v8, v2;
	s23 =	sadd.s32 @!p0 $0x2, s23;
	v3 =	vmax.bf16 v7, v3  }
0x69: {  	s24 =	sshll.u32 s22, $0x6;
	v2 =	vmax.bf16 v2, v4;
	s25 =	smul.u32 @!p0 $0x1A0, s23;
	v3 =	vmax.bf16 v3, v5  }
0x6a: {  	s24 =	sand.u32 $0x3FFFFFC0, s24;
	s23 =	smul.u32 @!p0 $0x180, s23;
	v0 =	vmax.bf16 v2, v0;
	v1 =	vmax.bf16 v3, v1  }
0x6b: {  	s26 =	simm.s32 @!p0 $0x6400;
	v0 =	vmax.bf16 v0, v6;
	[tilespmem:s24+$0x9600] =	vst v1  }
0x6c: {  	s25 =	sshra.s32 @!p0 s25, $0x2;
	s23 =	sshra.s32 @!p0 s23, $0x2;
	[tilespmem:s24+$0x9610] =	vst v0;
	s24 =	simm.s32 @!p0 $0x68  }
0x6d: {  	[tilespmem:s26], [sflag:$0x1] =	stream.indirect.gather @!p0 [hbm4b:s3+s24], $0x20, s25, s24, $0xb8;
	[tilespmem:$0xA600] =	vst v63  }
0x6e: {  	s23 =	sadd.s32 @!p0 $0x3400, s23;
	s24 =	simm.s32 @!p0 $0x60;
	s25 =	simm.s32 @!p0 $0x7E00  }
0x6f: {  	[tilespmem:s25], [sflag:$0x1] =	stream.indirect.gather @!p0 [hbm4b:s3+s24], $0x20, s23, s24, $0xb8;
	[tilespmem:$0xA600] =	vst v63  }
0x70: {  	_ =	swait.ge [sflag:s18], $0xD00  }
0x71: {  	[sflag:s18] =	ssyncset.done $0x0  }
0x72: {  	[sflag:s18] =	ssyncadd.s32 $0xFFFFF300  }
0x73: {  	_ =	swait.ge [sflag:s18], $0xC00  }
0x74: {  	[sflag:s18] =	ssyncset.done $0x0  }
0x75: {  	s31 =	simm.s32 $0x71F0;
	[sflag:s18] =	ssyncadd.s32 $0xFFFFF400  }
0x76: {  	v0 =	vld [tilespmem:s31+$0xFFFFFFF0]  }
0x77: {  	v4 =	vld [tilespmem:s31+$0xFFFFFFD0]  }
0x78: {  	v2 =	vld [tilespmem:s31+$0xFFFFFFB0]  }
0x79: {  	v6 =	vld [tilespmem:s31+$0xFFFFFF90]  }
0x7a: {  	v8 =	vld [tilespmem:s31+$0xFFFFFF70]  }
0x7b: {  	v1 =	vld [tilespmem:s31+$0xFFFFFF50]  }
0x7c: {  	v3 =	vld [tilespmem:s31+$0xFFFFFF30]  }
0x7d: {  	v5 =	vld [tilespmem:s31+$0xFFFFFF10]  }
0x7e: {  	v7 =	vld [tilespmem:s31+$0xFFFFFF20]  }
0x7f: {  	v9 =	vld [tilespmem:s31+$0xFFFFFF40]  }
0x80: {  	v13 =	vld [tilespmem:s31+$0xFFFFFF60]  }
0x81: {  	v14 =	vld [tilespmem:s31+$0xFFFFFF80]  }
0x82: {  	v11 =	vimm.bf16 $-Inf;
	v10 =	vld [tilespmem:s31+$0xFFFFFFA0]  }
0x83: {  	v5 =	vmax.bf16 v11, v5;
	v7 =	vmax.bf16 v11, v7;
	v11 =	vld [tilespmem:s31+$0xFFFFFFC0]  }
0x84: {  	v12 =	vld [tilespmem:s31+$0xFFFFFFE0];
	v3 =	vmax.bf16 v5, v3;
	v5 =	vmax.bf16 v7, v9  }
0x85: {  	s22 =	sadd.s32 $0x1, s22;
	s24 =	simm.s32 $0x0;
	s25 =	simm.s32 $0x72F0;
	v15 =	vmax.bf16 v3, v1;
	v16 =	vmax.bf16 v5, v13;
	v13 =	vld [tilespmem:s31+$0x0]  }
.LBB2_7:
0x86: {  	v1 =	vld [tilespmem:s25+$0xFFFFFFF0];
	v3 =	vmax.bf16 v15, v8;
	v5 =	vmax.bf16 v16, v14  }
0x87: {  	v7 =	vld [tilespmem:s25+$0xFFFFFFD0];
	v3 =	vmax.bf16 v3, v6;
	v5 =	vmax.bf16 v5, v10  }
0x88: {  	v3 =	vmax.bf16 v3, v2;
	v2 =	vld [tilespmem:s25+$0xFFFFFFB0];
	v5 =	vmax.bf16 v5, v11  }
0x89: {  	v6 =	vld [tilespmem:s25+$0xFFFFFF90];
	v3 =	vmax.bf16 v3, v4;
	v4 =	vmax.bf16 v5, v12  }
0x8a: {  	s23 =	simm.s32 $0x8AF0;
	v8 =	vld [tilespmem:s25+$0xFFFFFF70];
	v3 =	vmax.bf16 v3, v0;
	v5 =	vmax.bf16 v4, v13  }
0x8b: {  	v9 =	vld [tilespmem:s25+$0xFFFFFF50];
	v0 =	vmov v1  }
0x8c: {  	v1 =	vld [tilespmem:s25+$0xFFFFFF30];
	v4 =	vmov v7  }
0x8d: {  	v7 =	vld [tilespmem:s25+$0xFFFFFF10]  }
0x8e: {  	s24 =	sadd.s32 $0x8, s24;
	v11 =	vld [tilespmem:s25+$0xFFFFFF20]  }
0x8f: {  	p0 =	slt.u32 s24, $0x60;
	v12 =	vld [tilespmem:s25+$0xFFFFFF40]  }
0x90: {  	v13 =	vld [tilespmem:s25+$0xFFFFFF60]  }
.Ltmp2:
0x91: {  	v14 =	vld [tilespmem:s25+$0xFFFFFF80];
	(pc) =	sbr.rel @p0 .LBB2_7-.Ltmp2, $4  }
0x92: {  	v10 =	vld [tilespmem:s25+$0xFFFFFFA0]  }
0x93: {  	v3 =	vmax.bf16 v3, v7;
	v5 =	vmax.bf16 v5, v11;
	v11 =	vld [tilespmem:s25+$0xFFFFFFC0]  }
0x94: {  	v1 =	vmax.bf16 v3, v1;
	v3 =	vmax.bf16 v5, v12;
	v12 =	vld [tilespmem:s25+$0xFFFFFFE0]  }
0x95: {  	v15 =	vmax.bf16 v1, v9;
	v16 =	vmax.bf16 v3, v13;
	v13 =	vld [tilespmem:s25+$0x0];
	s25 =	sadd.s32 $0x100, s25  }
0x96: {  	v1 =	vld [tilespmem:s23+$0xFFFFFFF0]  }
0x97: {  	v5 =	vld [tilespmem:s23+$0xFFFFFFD0]  }
0x98: {  	v3 =	vld [tilespmem:s23+$0xFFFFFFB0]  }
0x99: {  	v7 =	vld [tilespmem:s23+$0xFFFFFF90]  }
0x9a: {  	v9 =	vld [tilespmem:s23+$0xFFFFFF70]  }
0x9b: {  	v17 =	vld [tilespmem:s23+$0xFFFFFF50]  }
0x9c: {  	v18 =	vld [tilespmem:s23+$0xFFFFFF30]  }
0x9d: {  	v19 =	vld [tilespmem:s23+$0xFFFFFF10]  }
0x9e: {  	v8 =	vmax.bf16 v15, v8;
	v14 =	vmax.bf16 v16, v14;
	v62 =	vld [tilespmem:s23+$0xFFFFFF20]  }
0x9f: {  	v6 =	vmax.bf16 v8, v6;
	v8 =	vmax.bf16 v14, v10;
	v10 =	vld [tilespmem:s23+$0xFFFFFF40]  }
0xa0: {  	v2 =	vmax.bf16 v6, v2;
	v6 =	vmax.bf16 v8, v11;
	v8 =	vld [tilespmem:s23+$0xFFFFFF60]  }
0xa1: {  	v4 =	vmax.bf16 v2, v4;
	v6 =	vmax.bf16 v6, v12;
	v2 =	vld [tilespmem:s23+$0xFFFFFF80]  }
0xa2: {  	v4 =	vmax.bf16 v4, v0;
	v6 =	vmax.bf16 v6, v13;
	v0 =	vld [tilespmem:s23+$0xFFFFFFA0]  }
0xa3: {  	v11 =	vmax.bf16 v4, v19;
	v6 =	vmax.bf16 v6, v62;
	v4 =	vld [tilespmem:s23+$0xFFFFFFC0]  }
0xa4: {  	v11 =	vmax.bf16 v11, v18;
	v63 =	vmax.bf16 v6, v10;
	v6 =	vld [tilespmem:s23+$0xFFFFFFE0]  }
0xa5: {  	s24 =	simm.s32 $0x0;
	v10 =	vmax.bf16 v11, v17;
	v11 =	vmax.bf16 v63, v8;
	v8 =	vld [tilespmem:s23+$0x0];
	s23 =	simm.s32 $0x8BF0  }
.LBB2_9:
0xa6: {  	v12 =	vld [tilespmem:s23+$0xFFFFFFF0];
	v9 =	vmax.bf16 v10, v9;
	v2 =	vmax.bf16 v11, v2  }
0xa7: {  	v10 =	vld [tilespmem:s23+$0xFFFFFFD0];
	v7 =	vmax.bf16 v9, v7;
	v0 =	vmax.bf16 v2, v0  }
0xa8: {  	v2 =	vmax.bf16 v7, v3;
	v3 =	vld [tilespmem:s23+$0xFFFFFFB0];
	v0 =	vmax.bf16 v0, v4  }
0xa9: {  	v7 =	vld [tilespmem:s23+$0xFFFFFF90];
	v2 =	vmax.bf16 v2, v5;
	v0 =	vmax.bf16 v0, v6  }
0xaa: {  	v9 =	vld [tilespmem:s23+$0xFFFFFF70];
	v4 =	vmax.bf16 v2, v1;
	v6 =	vmax.bf16 v0, v8  }
0xab: {  	v8 =	vld [tilespmem:s23+$0xFFFFFF50];
	v1 =	vmov v12  }
0xac: {  	v11 =	vld [tilespmem:s23+$0xFFFFFF30];
	v5 =	vmov v10  }
0xad: {  	v10 =	vld [tilespmem:s23+$0xFFFFFF10]  }
0xae: {  	s24 =	sadd.s32 $0x8, s24;
	v12 =	vld [tilespmem:s23+$0xFFFFFF20]  }
0xaf: {  	p0 =	slt.u32 s24, $0x58;
	v13 =	vld [tilespmem:s23+$0xFFFFFF40]  }
0xb0: {  	v14 =	vld [tilespmem:s23+$0xFFFFFF60]  }
.Ltmp3:
0xb1: {  	v2 =	vld [tilespmem:s23+$0xFFFFFF80];
	(pc) =	sbr.rel @p0 .LBB2_9-.Ltmp3, $4  }
0xb2: {  	v0 =	vld [tilespmem:s23+$0xFFFFFFA0]  }
0xb3: {  	v10 =	vmax.bf16 v4, v10;
	v6 =	vmax.bf16 v6, v12;
	v4 =	vld [tilespmem:s23+$0xFFFFFFC0]  }
0xb4: {  	v10 =	vmax.bf16 v10, v11;
	v11 =	vmax.bf16 v6, v13;
	v6 =	vld [tilespmem:s23+$0xFFFFFFE0]  }
0xb5: {  	v10 =	vmax.bf16 v10, v8;
	v11 =	vmax.bf16 v11, v14;
	v8 =	vld [tilespmem:s23+$0x0];
	s23 =	sadd.s32 $0x100, s23  }
0xb6: {  	v9 =	vmax.bf16 v10, v9  }
0xb7: {  	v2 =	vmax.bf16 v11, v2;
	p0 =	sne.s32 s22, $0x40;
	v7 =	vmax.bf16 v9, v7  }
.Ltmp4:
0xb8: {  	v0 =	vmax.bf16 v2, v0;
	v63 =	vmax.bf16 v7, v3;
	(pc) =	sbr.rel @p0 .LBB2_2-.Ltmp4, $4  }
0xb9: {  	s21 =	sshll.u32 s21, $0x5;
	v0 =	vmax.bf16 v0, v4;
	v2 =	vmax.bf16 v63, v5  }
0xba: {  	s21 =	sand.u32 $0x3FFFFFE0, s21;
	v0 =	vmax.bf16 v0, v6;
	v1 =	vmax.bf16 v2, v1  }
0xbb: {  	v0 =	vmax.bf16 v0, v8;
	[tilespmem:s21+$0x9600] =	vst v1  }
0xbc: {  	[tilespmem:s21+$0x9610] =	vst v0  }
0xbd: {  	s20 =	sadd.s32 $0x1, s20  }
0xbe: {  	p0 =	sne.s32 s20, s7  }
.Ltmp5:
0xbf: {  	_ = 	snop;
	(pc) =	sbr.rel @p0 .LBB2_1-.Ltmp5, $4  }
0xc0: {  	[hbm4b:s6+s2] =	stream.linear.scatter [tilespmem:s19], [sflag:$0x3], $0x1000, $0x38;
	[tilespmem:$0xA600] =	vst v63  }
0xc1: {  	_ =	swait.ge [sflag:s10], $0x1000  }
0xc2: {  	[sflag:s10] =	ssyncset.done $0x0  }
0xc3: {  	[sflag:s10] =	ssyncadd.s32 $0xFFFFF000  }
0xc4: {  	_ =	sfence.sel $0x180000  }
0xc5: {  	[bflag:$0x0] =	sbarrier.arrive $0xFFFF  }
0xc6: {  	p0 =	sne.s32 s0, $0x0;
	_ =	strace $0x90000047  }
0xc7: {  	s0 =	sadd.s32 @!p0 $0x100000, s1;
	[bflag:$0x2] =	sbarrier.arrive $0xFFFF  }
0xc8: {  	[sflag:s0] =	ssyncadd.tile.s32 @!p0 $0x1;
	_ =	shalt  }
.Lfunc_end2:
_tile_overlayer_lowered:
.L_overlay_start_2:
0xc9: {  	(tag) =	ssettag $0x2  }
0xca: {  	s0 =	rddreg [dreg:$0x0];
	s2 =	stileid.u32  }
0xcb: {  	s1 =	rddreg [dreg:$0x1];
	p0 =	sne.s32 s2, $0x0  }
0xcc: {  	s3 =	rddreg [dreg:$0x2];
	[bflag:$0x3] =	sbarrier.arrive $0xFFFF;
	s2 =	simm.s32 @!p0 $0x1C03  }
0xcd: {  	[timem:s3], [sflag:s2] =	dma.local @!p0 [hbm:s0], s1  }
0xce: {  	s0 =	simm.s32 @!p0 $0x3  }
0xcf: {  	_ =	swait.ge @!p0 [sflag:s0], s1  }
0xd0: {  	s1 =	ssub.s32 @!p0 $0x0, s1;
	[sflag:s0] =	ssyncset.done @!p0 $0x0  }
0xd1: {  	[sflag:s0] =	ssyncadd.s32 @!p0 s1  }
0xd2: {  	[bflag:$0x3] =	sbarrier.arrive $0xFFFF  }
0xd3: {  	_ =	shalt  }

</sc_bundles>
